<compile_context>
chip_gen: v7x
topology: tpu7x:2x2x1
jax: 0.10.2.dev20260603
libtpu: 0.0.44.dev20260713+nightly
codegen_flags: <defaults>
</compile_context>

<pallas_src>
import functools

import jax
import jax.numpy as jnp
from jax import lax
from jax.experimental import pallas as pl
from jax.experimental.pallas import tpu as pltpu
from jax.experimental.pallas import tpu_sc as plsc

B, N, C = 8, 65536, 64
M, K = 32768, 27

NC, NS, L = 2, 16, 16
NW = NC * NS
M_PER_W = M // NW
CR = 512
HALVES = M_PER_W // CR
G = CR // 128


def _sparse_select(features_flat, batches, offsets_t):
    mesh = plsc.VectorSubcoreMesh(core_axis_name="c", subcore_axis_name="s")

    @functools.partial(
        pl.kernel,
        mesh=mesh,
        compiler_params=pltpu.CompilerParams(use_tc_tiling_on_sc=False),
        out_type=jax.ShapeDtypeStruct((K * M, C), jnp.float32),
        scratch_types=[
            pltpu.VMEM((M_PER_W,), jnp.int32),
            pltpu.VMEM((K, M_PER_W), jnp.int32),
            pltpu.VMEM((G, 128), jnp.int32),
            pltpu.VMEM((G, 128), jnp.int32),
            pltpu.VMEM((CR, C), jnp.float32),
            pltpu.VMEM((CR, C), jnp.float32),
            pltpu.SemaphoreType.DMA,
            pltpu.SemaphoreType.DMA,
            pltpu.SemaphoreType.DMA,
            pltpu.SemaphoreType.DMA,
        ],
    )
    def body(feat_hbm, batches_hbm, offs_hbm, out_hbm,
             bat_v, offs_v, idx0, idx1, rows0, rows1,
             sem_g0, sem_g1, sem_w0, sem_w1):
        wid = lax.axis_index("s") * NC + lax.axis_index("c")
        mw0 = wid * M_PER_W
        pltpu.sync_copy(batches_hbm.at[pl.ds(mw0, M_PER_W)], bat_v)
        pltpu.sync_copy(offs_hbm.at[:, pl.ds(mw0, M_PER_W)], offs_v)

        def compute_idx(k, h, idx_v):
            for g in range(G):
                for j in range(8):
                    m_loc = h * CR + (g * 8 + j) * 16
                    b = bat_v[pl.ds(m_loc, 16)]
                    off = offs_v[k, pl.ds(m_loc, 16)]
                    idx_v[g, pl.ds(j * 16, 16)] = b * N + off

        def fire_gathers(idx_v, rows_v, sem):
            return [
                pltpu.async_copy(
                    feat_hbm.at[idx_v.at[g]],
                    rows_v.at[pl.ds(g * 128, 128)],
                    sem,
                )
                for g in range(G)
            ]

        def fire_wb(k, h, rows_v, sem):
            row0 = k * M + mw0 + h * CR
            pltpu.async_copy(rows_v, out_hbm.at[pl.ds(row0, CR)], sem)

        def wb_wait(rows_v, sem):
            pltpu.make_async_copy(rows_v, out_hbm.at[pl.ds(0, CR)], sem).wait()

        def per_k(k, carry):
            compute_idx(k, 0, idx0)
            compute_idx(k, 1, idx1)

            @pl.when(k > 0)
            def _():
                wb_wait(rows0, sem_w0)
            ga = fire_gathers(idx0, rows0, sem_g0)

            @pl.when(k > 0)
            def _():
                wb_wait(rows1, sem_w1)
            gb = fire_gathers(idx1, rows1, sem_g1)

            for h in ga:
                h.wait()
            fire_wb(k, 0, rows0, sem_w0)
            for h in gb:
                h.wait()
            fire_wb(k, 1, rows1, sem_w1)
            return carry

        lax.fori_loop(0, K, per_k, 0)
        wb_wait(rows0, sem_w0)
        wb_wait(rows1, sem_w1)

    return body(features_flat, batches, offsets_t)


def kernel(features, batches, offsets):
    features_flat = features.reshape(B * N, C)
    offsets_t = offsets.astype(jnp.int32).T
    out = _sparse_select(features_flat, batches.astype(jnp.int32), offsets_t)
    return out.reshape(K, M, C).transpose(1, 0, 2)

# --- scband reference (transcript-rebuilt; emitter-appended) ---
"""Pipeline reference for scband-sparse-select-37005438222839 (READ-ONLY COPY).

The authoritative reference and input builder live on the scoring server;
editing this copy changes nothing except your own understanding.
"""

import jax, jax.numpy as jnp
import numpy as np


def setup_inputs(seed: int = 0) -> dict:
    key = jax.random.key(seed)
    k1, k2, k3 = jax.random.split(key, 3)
    B, N, C = 8, 65536, 64
    M, K = 32768, 27
    features = jax.random.normal(k1, (B, N, C), dtype=jnp.float32)
    batches = jax.random.randint(k2, (M,), 0, B, dtype=jnp.int32)
    offsets = jax.random.randint(k3, (M, K), 0, N, dtype=jnp.int64)
    return {"features": features, "batches": batches, "offsets": offsets}


def reference(features, batches, offsets):
    # SparseSelect: for each active point m and each kernel tap k,
    # gather the feature vector at spatial index offsets[m, k] within
    # the point's batch: out[m, k, :] = features[batches[m], offsets[m, k], :]
    # Output shape: [M, kernel_size, C]
    out = features[batches[:, None], offsets]
    return out

if __name__ == "__main__":
    import jax
    _d = setup_inputs()
    print(jax.jit(kernel)(*tuple(_d.values())))

</pallas_src>

<mosaic_0001>
#map = affine_map<(d0, d1) -> (0, 0)>
#map1 = affine_map<(d0, d1) -> (0)>
module attributes {stable_mosaic.version = 14 : i64} {
  func.func @body(%arg0: i32, %arg1: i32, %arg2: memref<524288x64xf32, #tpu.memory_space<hbm>>, %arg3: memref<32768xi32, #tpu.memory_space<hbm>>, %arg4: memref<27x32768xi32, #tpu.memory_space<hbm>>, %arg5: memref<884736x64xf32, #tpu.memory_space<hbm>>, %arg6: memref<1024xi32, #tpu.memory_space<vmem>>, %arg7: memref<27x1024xi32, #tpu.memory_space<vmem>>, %arg8: memref<4x128xi32, #tpu.memory_space<vmem>>, %arg9: memref<4x128xi32, #tpu.memory_space<vmem>>, %arg10: memref<512x64xf32, #tpu.memory_space<vmem>>, %arg11: memref<512x64xf32, #tpu.memory_space<vmem>>, %arg12: memref<!tpu.dma_semaphore, #tpu.memory_space<semaphore_mem>>, %arg13: memref<!tpu.dma_semaphore, #tpu.memory_space<semaphore_mem>>, %arg14: memref<!tpu.dma_semaphore, #tpu.memory_space<semaphore_mem>>, %arg15: memref<!tpu.dma_semaphore, #tpu.memory_space<semaphore_mem>>) attributes {dimension_semantics = [#tpu.dimension_semantics<core_parallel>, #tpu.dimension_semantics<subcore_parallel>], iteration_bounds = array<i64: 2, 16>, scalar_prefetch = 0 : i64, scratch_operands = 10 : i64, tpu.core_type = #tpu.core_type<sc_vector_subcore>, window_params = [{transform_indices = #map}, {transform_indices = #map1}, {transform_indices = #map}, {transform_indices = #map}]} {
    %mul3A = arith.constant 2 : i32
    %mul3A_0 = arith.muli %arg1, %mul3A : i32
    %add3A = arith.addi %mul3A_0, %arg0 : i32
    %mul3A_1 = arith.constant 1024 : i32
    %mul3A_2 = arith.muli %add3A, %mul3A_1 : i32
    "tpu.region"() ({
      %run_scoped3A = tpu.sem_alloc : memref<!tpu.dma_semaphore, #tpu.memory_space<semaphore_mem>>
      %dma_start3A = tpu.memref_slice %arg3[%mul3A_2] : memref<32768xi32, #tpu.memory_space<hbm>> -> memref<1024xi32, #tpu.memory_space<hbm>>
      %dma_start3A_19 = tpu.memref_slice %arg3[%mul3A_2] : memref<32768xi32, #tpu.memory_space<hbm>> -> memref<1024xi32, #tpu.memory_space<hbm>>
      tpu.enqueue_dma source(%dma_start3A_19 : memref<1024xi32, #tpu.memory_space<hbm>>) target(%arg6 : memref<1024xi32, #tpu.memory_space<vmem>>) target_semaphore(%run_scoped3A : memref<!tpu.dma_semaphore, #tpu.memory_space<semaphore_mem>>)
      %dma_wait3A_20 = tpu.memref_slice %arg3[%mul3A_2] : memref<32768xi32, #tpu.memory_space<hbm>> -> memref<1024xi32, #tpu.memory_space<hbm>>
      %dma_wait3A_21 = tpu.memref_slice %arg3[%mul3A_2] : memref<32768xi32, #tpu.memory_space<hbm>> -> memref<1024xi32, #tpu.memory_space<hbm>>
      tpu.wait_dma2 semaphore(%run_scoped3A : memref<!tpu.dma_semaphore, #tpu.memory_space<semaphore_mem>>) src(%dma_wait3A_21 : memref<1024xi32, #tpu.memory_space<hbm>>) dst(%arg6 : memref<1024xi32, #tpu.memory_space<vmem>>)
      tpu.yield
    }) : () -> ()
    "tpu.region"() ({
      %run_scoped3A = tpu.sem_alloc : memref<!tpu.dma_semaphore, #tpu.memory_space<semaphore_mem>>
      %dma_start3A = arith.constant 0 : i32
      %dma_start3A_19 = tpu.memref_slice %arg4[%dma_start3A, %mul3A_2] : memref<27x32768xi32, #tpu.memory_space<hbm>> -> memref<27x1024xi32, #tpu.memory_space<hbm>>
      %dma_start3A_20 = arith.constant 0 : i32
      %dma_start3A_21 = tpu.memref_slice %arg4[%dma_start3A_20, %mul3A_2] : memref<27x32768xi32, #tpu.memory_space<hbm>> -> memref<27x1024xi32, #tpu.memory_space<hbm>>
      tpu.enqueue_dma source(%dma_start3A_21 : memref<27x1024xi32, #tpu.memory_space<hbm>>) target(%arg7 : memref<27x1024xi32, #tpu.memory_space<vmem>>) target_semaphore(%run_scoped3A : memref<!tpu.dma_semaphore, #tpu.memory_space<semaphore_mem>>)
      %dma_wait3A_22 = arith.constant 0 : i32
      %dma_wait3A_23 = tpu.memref_slice %arg4[%dma_wait3A_22, %mul3A_2] : memref<27x32768xi32, #tpu.memory_space<hbm>> -> memref<27x1024xi32, #tpu.memory_space<hbm>>
      %dma_wait3A_24 = arith.constant 0 : i32
      %dma_wait3A_25 = tpu.memref_slice %arg4[%dma_wait3A_24, %mul3A_2] : memref<27x32768xi32, #tpu.memory_space<hbm>> -> memref<27x1024xi32, #tpu.memory_space<hbm>>
      tpu.wait_dma2 semaphore(%run_scoped3A : memref<!tpu.dma_semaphore, #tpu.memory_space<semaphore_mem>>) src(%dma_wait3A_25 : memref<27x1024xi32, #tpu.memory_space<hbm>>) dst(%arg7 : memref<27x1024xi32, #tpu.memory_space<vmem>>)
      tpu.yield
    }) : () -> ()
    %scan3A = arith.constant 0 : i32
    %scan3A_3 = arith.constant 0 : i32
    %scan3A_4 = arith.constant 27 : i32
    %scan3A_5 = arith.addi %scan3A_3, %scan3A_4 : i32
    %scan3A_6 = arith.constant 1 : i32
    scf.for %scan3A_19 = %scan3A_3 to %scan3A_5 step %scan3A_6  : i32 {
      %get3A = arith.constant 0 : index
      %get3A_20 = tpu.vector_load %arg6[%get3A] {strides = array<i32>} : memref<1024xi32, #tpu.memory_space<vmem>>, vector<16xi32>,
      %get3A_21 = vector.shape_cast %get3A_20 : vector<16xi32> to vector<16xi32>
      %get3A_22 = arith.index_cast %scan3A_19 : i32 to index
      %get3A_23 = arith.constant 0 : index
      %get3A_24 = tpu.vector_load %arg7[%get3A_22, %get3A_23] {strides = array<i32>} : memref<27x1024xi32, #tpu.memory_space<vmem>>, vector<1x16xi32>,
      %get3A_25 = vector.shape_cast %get3A_24 : vector<1x16xi32> to vector<16xi32>
      %mul3A_26 = arith.constant 65536 : i32
      %mul3A_27 = vector.broadcast %mul3A_26 : i32 to vector<16xi32>
      %mul3A_28 = arith.muli %get3A_21, %mul3A_27 : vector<16xi32>
      %add3A_29 = arith.addi %mul3A_28, %get3A_25 : vector<16xi32>
      %swap3A = arith.constant 0 : i32
      %swap3A_30 = arith.index_cast %swap3A : i32 to index
      %swap3A_31 = arith.constant 0 : index
      %swap3A_32 = tpu.vector_load %arg8[%swap3A_30, %swap3A_31] {strides = array<i32>} : memref<4x128xi32, #tpu.memory_space<vmem>>, vector<1x16xi32>,
      %swap3A_33 = vector.shape_cast %swap3A_32 : vector<1x16xi32> to vector<16xi32>
      %swap3A_34 = vector.shape_cast %add3A_29 : vector<16xi32> to vector<1x16xi32>
      tpu.vector_store %arg8[%swap3A_30, %swap3A_31], %swap3A_34 {strides = array<i32>} : memref<4x128xi32, #tpu.memory_space<vmem>>, vector<1x16xi32>,
      %get3A_35 = arith.constant 16 : index
      %get3A_36 = tpu.vector_load %arg6[%get3A_35] {strides = array<i32>} : memref<1024xi32, #tpu.memory_space<vmem>>, vector<16xi32>,
      %get3A_37 = vector.shape_cast %get3A_36 : vector<16xi32> to vector<16xi32>
      %get3A_38 = arith.index_cast %scan3A_19 : i32 to index
      %get3A_39 = arith.constant 16 : index
      %get3A_40 = tpu.vector_load %arg7[%get3A_38, %get3A_39] {strides = array<i32>} : memref<27x1024xi32, #tpu.memory_space<vmem>>, vector<1x16xi32>,
      %get3A_41 = vector.shape_cast %get3A_40 : vector<1x16xi32> to vector<16xi32>
      %mul3A_42 = arith.constant 65536 : i32
      %mul3A_43 = vector.broadcast %mul3A_42 : i32 to vector<16xi32>
      %mul3A_44 = arith.muli %get3A_37, %mul3A_43 : vector<16xi32>
      %add3A_45 = arith.addi %mul3A_44, %get3A_41 : vector<16xi32>
      %swap3A_46 = arith.constant 0 : i32
      %swap3A_47 = arith.index_cast %swap3A_46 : i32 to index
      %swap3A_48 = arith.constant 16 : index
      %swap3A_49 = tpu.vector_load %arg8[%swap3A_47, %swap3A_48] {strides = array<i32>} : memref<4x128xi32, #tpu.memory_space<vmem>>, vector<1x16xi32>,
      %swap3A_50 = vector.shape_cast %swap3A_49 : vector<1x16xi32> to vector<16xi32>
      %swap3A_51 = vector.shape_cast %add3A_45 : vector<16xi32> to vector<1x16xi32>
      tpu.vector_store %arg8[%swap3A_47, %swap3A_48], %swap3A_51 {strides = array<i32>} : memref<4x128xi32, #tpu.memory_space<vmem>>, vector<1x16xi32>,
      %get3A_52 = arith.constant 32 : index
      %get3A_53 = tpu.vector_load %arg6[%get3A_52] {strides = array<i32>} : memref<1024xi32, #tpu.memory_space<vmem>>, vector<16xi32>,
      %get3A_54 = vector.shape_cast %get3A_53 : vector<16xi32> to vector<16xi32>
      %get3A_55 = arith.index_cast %scan3A_19 : i32 to index
      %get3A_56 = arith.constant 32 : index
      %get3A_57 = tpu.vector_load %arg7[%get3A_55, %get3A_56] {strides = array<i32>} : memref<27x1024xi32, #tpu.memory_space<vmem>>, vector<1x16xi32>,
      %get3A_58 = vector.shape_cast %get3A_57 : vector<1x16xi32> to vector<16xi32>
      %mul3A_59 = arith.constant 65536 : i32
      %mul3A_60 = vector.broadcast %mul3A_59 : i32 to vector<16xi32>
      %mul3A_61 = arith.muli %get3A_54, %mul3A_60 : vector<16xi32>
      %add3A_62 = arith.addi %mul3A_61, %get3A_58 : vector<16xi32>
      %swap3A_63 = arith.constant 0 : i32
      %swap3A_64 = arith.index_cast %swap3A_63 : i32 to index
      %swap3A_65 = arith.constant 32 : index
      %swap3A_66 = tpu.vector_load %arg8[%swap3A_64, %swap3A_65] {strides = array<i32>} : memref<4x128xi32, #tpu.memory_space<vmem>>, vector<1x16xi32>,
      %swap3A_67 = vector.shape_cast %swap3A_66 : vector<1x16xi32> to vector<16xi32>
      %swap3A_68 = vector.shape_cast %add3A_62 : vector<16xi32> to vector<1x16xi32>
      tpu.vector_store %arg8[%swap3A_64, %swap3A_65], %swap3A_68 {strides = array<i32>} : memref<4x128xi32, #tpu.memory_space<vmem>>, vector<1x16xi32>,
      %get3A_69 = arith.constant 48 : index
      %get3A_70 = tpu.vector_load %arg6[%get3A_69] {strides = array<i32>} : memref<1024xi32, #tpu.memory_space<vmem>>, vector<16xi32>,
      %get3A_71 = vector.shape_cast %get3A_70 : vector<16xi32> to vector<16xi32>
      %get3A_72 = arith.index_cast %scan3A_19 : i32 to index
      %get3A_73 = arith.constant 48 : index
      %get3A_74 = tpu.vector_load %arg7[%get3A_72, %get3A_73] {strides = array<i32>} : memref<27x1024xi32, #tpu.memory_space<vmem>>, vector<1x16xi32>,
      %get3A_75 = vector.shape_cast %get3A_74 : vector<1x16xi32> to vector<16xi32>
      %mul3A_76 = arith.constant 65536 : i32
      %mul3A_77 = vector.broadcast %mul3A_76 : i32 to vector<16xi32>
      %mul3A_78 = arith.muli %get3A_71, %mul3A_77 : vector<16xi32>
      %add3A_79 = arith.addi %mul3A_78, %get3A_75 : vector<16xi32>
      %swap3A_80 = arith.constant 0 : i32
      %swap3A_81 = arith.index_cast %swap3A_80 : i32 to index
      %swap3A_82 = arith.constant 48 : index
      %swap3A_83 = tpu.vector_load %arg8[%swap3A_81, %swap3A_82] {strides = array<i32>} : memref<4x128xi32, #tpu.memory_space<vmem>>, vector<1x16xi32>,
      %swap3A_84 = vector.shape_cast %swap3A_83 : vector<1x16xi32> to vector<16xi32>
      %swap3A_85 = vector.shape_cast %add3A_79 : vector<16xi32> to vector<1x16xi32>
      tpu.vector_store %arg8[%swap3A_81, %swap3A_82], %swap3A_85 {strides = array<i32>} : memref<4x128xi32, #tpu.memory_space<vmem>>, vector<1x16xi32>,
      %get3A_86 = arith.constant 64 : index
      %get3A_87 = tpu.vector_load %arg6[%get3A_86] {strides = array<i32>} : memref<1024xi32, #tpu.memory_space<vmem>>, vector<16xi32>,
      %get3A_88 = vector.shape_cast %get3A_87 : vector<16xi32> to vector<16xi32>
      %get3A_89 = arith.index_cast %scan3A_19 : i32 to index
      %get3A_90 = arith.constant 64 : index
      %get3A_91 = tpu.vector_load %arg7[%get3A_89, %get3A_90] {strides = array<i32>} : memref<27x1024xi32, #tpu.memory_space<vmem>>, vector<1x16xi32>,
      %get3A_92 = vector.shape_cast %get3A_91 : vector<1x16xi32> to vector<16xi32>
      %mul3A_93 = arith.constant 65536 : i32
      %mul3A_94 = vector.broadcast %mul3A_93 : i32 to vector<16xi32>
      %mul3A_95 = arith.muli %get3A_88, %mul3A_94 : vector<16xi32>
      %add3A_96 = arith.addi %mul3A_95, %get3A_92 : vector<16xi32>
      %swap3A_97 = arith.constant 0 : i32
      %swap3A_98 = arith.index_cast %swap3A_97 : i32 to index
      %swap3A_99 = arith.constant 64 : index
      %swap3A_100 = tpu.vector_load %arg8[%swap3A_98, %swap3A_99] {strides = array<i32>} : memref<4x128xi32, #tpu.memory_space<vmem>>, vector<1x16xi32>,
      %swap3A_101 = vector.shape_cast %swap3A_100 : vector<1x16xi32> to vector<16xi32>
      %swap3A_102 = vector.shape_cast %add3A_96 : vector<16xi32> to vector<1x16xi32>
      tpu.vector_store %arg8[%swap3A_98, %swap3A_99], %swap3A_102 {strides = array<i32>} : memref<4x128xi32, #tpu.memory_space<vmem>>, vector<1x16xi32>,
      %get3A_103 = arith.constant 80 : index
      %get3A_104 = tpu.vector_load %arg6[%get3A_103] {strides = array<i32>} : memref<1024xi32, #tpu.memory_space<vmem>>, vector<16xi32>,
      %get3A_105 = vector.shape_cast %get3A_104 : vector<16xi32> to vector<16xi32>
      %get3A_106 = arith.index_cast %scan3A_19 : i32 to index
      %get3A_107 = arith.constant 80 : index
      %get3A_108 = tpu.vector_load %arg7[%get3A_106, %get3A_107] {strides = array<i32>} : memref<27x1024xi32, #tpu.memory_space<vmem>>, vector<1x16xi32>,
      %get3A_109 = vector.shape_cast %get3A_108 : vector<1x16xi32> to vector<16xi32>
      %mul3A_110 = arith.constant 65536 : i32
      %mul3A_111 = vector.broadcast %mul3A_110 : i32 to vector<16xi32>
      %mul3A_112 = arith.muli %get3A_105, %mul3A_111 : vector<16xi32>
      %add3A_113 = arith.addi %mul3A_112, %get3A_109 : vector<16xi32>
      %swap3A_114 = arith.constant 0 : i32
      %swap3A_115 = arith.index_cast %swap3A_114 : i32 to index
      %swap3A_116 = arith.constant 80 : index
      %swap3A_117 = tpu.vector_load %arg8[%swap3A_115, %swap3A_116] {strides = array<i32>} : memref<4x128xi32, #tpu.memory_space<vmem>>, vector<1x16xi32>,
      %swap3A_118 = vector.shape_cast %swap3A_117 : vector<1x16xi32> to vector<16xi32>
      %swap3A_119 = vector.shape_cast %add3A_113 : vector<16xi32> to vector<1x16xi32>
      tpu.vector_store %arg8[%swap3A_115, %swap3A_116], %swap3A_119 {strides = array<i32>} : memref<4x128xi32, #tpu.memory_space<vmem>>, vector<1x16xi32>,
      %get3A_120 = arith.constant 96 : index
      %get3A_121 = tpu.vector_load %arg6[%get3A_120] {strides = array<i32>} : memref<1024xi32, #tpu.memory_space<vmem>>, vector<16xi32>,
      %get3A_122 = vector.shape_cast %get3A_121 : vector<16xi32> to vector<16xi32>
      %get3A_123 = arith.index_cast %scan3A_19 : i32 to index
      %get3A_124 = arith.constant 96 : index
      %get3A_125 = tpu.vector_load %arg7[%get3A_123, %get3A_124] {strides = array<i32>} : memref<27x1024xi32, #tpu.memory_space<vmem>>, vector<1x16xi32>,
      %get3A_126 = vector.shape_cast %get3A_125 : vector<1x16xi32> to vector<16xi32>
      %mul3A_127 = arith.constant 65536 : i32
      %mul3A_128 = vector.broadcast %mul3A_127 : i32 to vector<16xi32>
      %mul3A_129 = arith.muli %get3A_122, %mul3A_128 : vector<16xi32>
      %add3A_130 = arith.addi %mul3A_129, %get3A_126 : vector<16xi32>
      %swap3A_131 = arith.constant 0 : i32
      %swap3A_132 = arith.index_cast %swap3A_131 : i32 to index
      %swap3A_133 = arith.constant 96 : index
      %swap3A_134 = tpu.vector_load %arg8[%swap3A_132, %swap3A_133] {strides = array<i32>} : memref<4x128xi32, #tpu.memory_space<vmem>>, vector<1x16xi32>,
      %swap3A_135 = vector.shape_cast %swap3A_134 : vector<1x16xi32> to vector<16xi32>
      %swap3A_136 = vector.shape_cast %add3A_130 : vector<16xi32> to vector<1x16xi32>
      tpu.vector_store %arg8[%swap3A_132, %swap3A_133], %swap3A_136 {strides = array<i32>} : memref<4x128xi32, #tpu.memory_space<vmem>>, vector<1x16xi32>,
      %get3A_137 = arith.constant 112 : index
      %get3A_138 = tpu.vector_load %arg6[%get3A_137] {strides = array<i32>} : memref<1024xi32, #tpu.memory_space<vmem>>, vector<16xi32>,
      %get3A_139 = vector.shape_cast %get3A_138 : vector<16xi32> to vector<16xi32>
      %get3A_140 = arith.index_cast %scan3A_19 : i32 to index
      %get3A_141 = arith.constant 112 : index
      %get3A_142 = tpu.vector_load %arg7[%get3A_140, %get3A_141] {strides = array<i32>} : memref<27x1024xi32, #tpu.memory_space<vmem>>, vector<1x16xi32>,
      %get3A_143 = vector.shape_cast %get3A_142 : vector<1x16xi32> to vector<16xi32>
      %mul3A_144 = arith.constant 65536 : i32
      %mul3A_145 = vector.broadcast %mul3A_144 : i32 to vector<16xi32>
      %mul3A_146 = arith.muli %get3A_139, %mul3A_145 : vector<16xi32>
      %add3A_147 = arith.addi %mul3A_146, %get3A_143 : vector<16xi32>
      %swap3A_148 = arith.constant 0 : i32
      %swap3A_149 = arith.index_cast %swap3A_148 : i32 to index
      %swap3A_150 = arith.constant 112 : index
      %swap3A_151 = tpu.vector_load %arg8[%swap3A_149, %swap3A_150] {strides = array<i32>} : memref<4x128xi32, #tpu.memory_space<vmem>>, vector<1x16xi32>,
      %swap3A_152 = vector.shape_cast %swap3A_151 : vector<1x16xi32> to vector<16xi32>
      %swap3A_153 = vector.shape_cast %add3A_147 : vector<16xi32> to vector<1x16xi32>
      tpu.vector_store %arg8[%swap3A_149, %swap3A_150], %swap3A_153 {strides = array<i32>} : memref<4x128xi32, #tpu.memory_space<vmem>>, vector<1x16xi32>,
      %get3A_154 = arith.constant 128 : index
      %get3A_155 = tpu.vector_load %arg6[%get3A_154] {strides = array<i32>} : memref<1024xi32, #tpu.memory_space<vmem>>, vector<16xi32>,
      %get3A_156 = vector.shape_cast %get3A_155 : vector<16xi32> to vector<16xi32>
      %get3A_157 = arith.index_cast %scan3A_19 : i32 to index
      %get3A_158 = arith.constant 128 : index
      %get3A_159 = tpu.vector_load %arg7[%get3A_157, %get3A_158] {strides = array<i32>} : memref<27x1024xi32, #tpu.memory_space<vmem>>, vector<1x16xi32>,
      %get3A_160 = vector.shape_cast %get3A_159 : vector<1x16xi32> to vector<16xi32>
      %mul3A_161 = arith.constant 65536 : i32
      %mul3A_162 = vector.broadcast %mul3A_161 : i32 to vector<16xi32>
      %mul3A_163 = arith.muli %get3A_156, %mul3A_162 : vector<16xi32>
      %add3A_164 = arith.addi %mul3A_163, %get3A_160 : vector<16xi32>
      %swap3A_165 = arith.constant 1 : i32
      %swap3A_166 = arith.index_cast %swap3A_165 : i32 to index
      %swap3A_167 = arith.constant 0 : index
      %swap3A_168 = tpu.vector_load %arg8[%swap3A_166, %swap3A_167] {strides = array<i32>} : memref<4x128xi32, #tpu.memory_space<vmem>>, vector<1x16xi32>,
      %swap3A_169 = vector.shape_cast %swap3A_168 : vector<1x16xi32> to vector<16xi32>
      %swap3A_170 = vector.shape_cast %add3A_164 : vector<16xi32> to vector<1x16xi32>
      tpu.vector_store %arg8[%swap3A_166, %swap3A_167], %swap3A_170 {strides = array<i32>} : memref<4x128xi32, #tpu.memory_space<vmem>>, vector<1x16xi32>,
      %get3A_171 = arith.constant 144 : index
      %get3A_172 = tpu.vector_load %arg6[%get3A_171] {strides = array<i32>} : memref<1024xi32, #tpu.memory_space<vmem>>, vector<16xi32>,
      %get3A_173 = vector.shape_cast %get3A_172 : vector<16xi32> to vector<16xi32>
      %get3A_174 = arith.index_cast %scan3A_19 : i32 to index
      %get3A_175 = arith.constant 144 : index
      %get3A_176 = tpu.vector_load %arg7[%get3A_174, %get3A_175] {strides = array<i32>} : memref<27x1024xi32, #tpu.memory_space<vmem>>, vector<1x16xi32>,
      %get3A_177 = vector.shape_cast %get3A_176 : vector<1x16xi32> to vector<16xi32>
      %mul3A_178 = arith.constant 65536 : i32
      %mul3A_179 = vector.broadcast %mul3A_178 : i32 to vector<16xi32>
      %mul3A_180 = arith.muli %get3A_173, %mul3A_179 : vector<16xi32>
      %add3A_181 = arith.addi %mul3A_180, %get3A_177 : vector<16xi32>
      %swap3A_182 = arith.constant 1 : i32
      %swap3A_183 = arith.index_cast %swap3A_182 : i32 to index
      %swap3A_184 = arith.constant 16 : index
      %swap3A_185 = tpu.vector_load %arg8[%swap3A_183, %swap3A_184] {strides = array<i32>} : memref<4x128xi32, #tpu.memory_space<vmem>>, vector<1x16xi32>,
      %swap3A_186 = vector.shape_cast %swap3A_185 : vector<1x16xi32> to vector<16xi32>
      %swap3A_187 = vector.shape_cast %add3A_181 : vector<16xi32> to vector<1x16xi32>
      tpu.vector_store %arg8[%swap3A_183, %swap3A_184], %swap3A_187 {strides = array<i32>} : memref<4x128xi32, #tpu.memory_space<vmem>>, vector<1x16xi32>,
      %get3A_188 = arith.constant 160 : index
      %get3A_189 = tpu.vector_load %arg6[%get3A_188] {strides = array<i32>} : memref<1024xi32, #tpu.memory_space<vmem>>, vector<16xi32>,
      %get3A_190 = vector.shape_cast %get3A_189 : vector<16xi32> to vector<16xi32>
      %get3A_191 = arith.index_cast %scan3A_19 : i32 to index
      %get3A_192 = arith.constant 160 : index
      %get3A_193 = tpu.vector_load %arg7[%get3A_191, %get3A_192] {strides = array<i32>} : memref<27x1024xi32, #tpu.memory_space<vmem>>, vector<1x16xi32>,
      %get3A_194 = vector.shape_cast %get3A_193 : vector<1x16xi32> to vector<16xi32>
      %mul3A_195 = arith.constant 65536 : i32
      %mul3A_196 = vector.broadcast %mul3A_195 : i32 to vector<16xi32>
      %mul3A_197 = arith.muli %get3A_190, %mul3A_196 : vector<16xi32>
      %add3A_198 = arith.addi %mul3A_197, %get3A_194 : vector<16xi32>
      %swap3A_199 = arith.constant 1 : i32
      %swap3A_200 = arith.index_cast %swap3A_199 : i32 to index
      %swap3A_201 = arith.constant 32 : index
      %swap3A_202 = tpu.vector_load %arg8[%swap3A_200, %swap3A_201] {strides = array<i32>} : memref<4x128xi32, #tpu.memory_space<vmem>>, vector<1x16xi32>,
      %swap3A_203 = vector.shape_cast %swap3A_202 : vector<1x16xi32> to vector<16xi32>
      %swap3A_204 = vector.shape_cast %add3A_198 : vector<16xi32> to vector<1x16xi32>
      tpu.vector_store %arg8[%swap3A_200, %swap3A_201], %swap3A_204 {strides = array<i32>} : memref<4x128xi32, #tpu.memory_space<vmem>>, vector<1x16xi32>,
      %get3A_205 = arith.constant 176 : index
      %get3A_206 = tpu.vector_load %arg6[%get3A_205] {strides = array<i32>} : memref<1024xi32, #tpu.memory_space<vmem>>, vector<16xi32>,
      %get3A_207 = vector.shape_cast %get3A_206 : vector<16xi32> to vector<16xi32>
      %get3A_208 = arith.index_cast %scan3A_19 : i32 to index
      %get3A_209 = arith.constant 176 : index
      %get3A_210 = tpu.vector_load %arg7[%get3A_208, %get3A_209] {strides = array<i32>} : memref<27x1024xi32, #tpu.memory_space<vmem>>, vector<1x16xi32>,
      %get3A_211 = vector.shape_cast %get3A_210 : vector<1x16xi32> to vector<16xi32>
      %mul3A_212 = arith.constant 65536 : i32
      %mul3A_213 = vector.broadcast %mul3A_212 : i32 to vector<16xi32>
      %mul3A_214 = arith.muli %get3A_207, %mul3A_213 : vector<16xi32>
      %add3A_215 = arith.addi %mul3A_214, %get3A_211 : vector<16xi32>
      %swap3A_216 = arith.constant 1 : i32
      %swap3A_217 = arith.index_cast %swap3A_216 : i32 to index
      %swap3A_218 = arith.constant 48 : index
      %swap3A_219 = tpu.vector_load %arg8[%swap3A_217, %swap3A_218] {strides = array<i32>} : memref<4x128xi32, #tpu.memory_space<vmem>>, vector<1x16xi32>,
      %swap3A_220 = vector.shape_cast %swap3A_219 : vector<1x16xi32> to vector<16xi32>
      %swap3A_221 = vector.shape_cast %add3A_215 : vector<16xi32> to vector<1x16xi32>
      tpu.vector_store %arg8[%swap3A_217, %swap3A_218], %swap3A_221 {strides = array<i32>} : memref<4x128xi32, #tpu.memory_space<vmem>>, vector<1x16xi32>,
      %get3A_222 = arith.constant 192 : index
      %get3A_223 = tpu.vector_load %arg6[%get3A_222] {strides = array<i32>} : memref<1024xi32, #tpu.memory_space<vmem>>, vector<16xi32>,
      %get3A_224 = vector.shape_cast %get3A_223 : vector<16xi32> to vector<16xi32>
      %get3A_225 = arith.index_cast %scan3A_19 : i32 to index
      %get3A_226 = arith.constant 192 : index
      %get3A_227 = tpu.vector_load %arg7[%get3A_225, %get3A_226] {strides = array<i32>} : memref<27x1024xi32, #tpu.memory_space<vmem>>, vector<1x16xi32>,
      %get3A_228 = vector.shape_cast %get3A_227 : vector<1x16xi32> to vector<16xi32>
      %mul3A_229 = arith.constant 65536 : i32
      %mul3A_230 = vector.broadcast %mul3A_229 : i32 to vector<16xi32>
      %mul3A_231 = arith.muli %get3A_224, %mul3A_230 : vector<16xi32>
      %add3A_232 = arith.addi %mul3A_231, %get3A_228 : vector<16xi32>
      %swap3A_233 = arith.constant 1 : i32
      %swap3A_234 = arith.index_cast %swap3A_233 : i32 to index
      %swap3A_235 = arith.constant 64 : index
      %swap3A_236 = tpu.vector_load %arg8[%swap3A_234, %swap3A_235] {strides = array<i32>} : memref<4x128xi32, #tpu.memory_space<vmem>>, vector<1x16xi32>,
      %swap3A_237 = vector.shape_cast %swap3A_236 : vector<1x16xi32> to vector<16xi32>
      %swap3A_238 = vector.shape_cast %add3A_232 : vector<16xi32> to vector<1x16xi32>
      tpu.vector_store %arg8[%swap3A_234, %swap3A_235], %swap3A_238 {strides = array<i32>} : memref<4x128xi32, #tpu.memory_space<vmem>>, vector<1x16xi32>,
      %get3A_239 = arith.constant 208 : index
      %get3A_240 = tpu.vector_load %arg6[%get3A_239] {strides = array<i32>} : memref<1024xi32, #tpu.memory_space<vmem>>, vector<16xi32>,
      %get3A_241 = vector.shape_cast %get3A_240 : vector<16xi32> to vector<16xi32>
      %get3A_242 = arith.index_cast %scan3A_19 : i32 to index
      %get3A_243 = arith.constant 208 : index
      %get3A_244 = tpu.vector_load %arg7[%get3A_242, %get3A_243] {strides = array<i32>} : memref<27x1024xi32, #tpu.memory_space<vmem>>, vector<1x16xi32>,
      %get3A_245 = vector.shape_cast %get3A_244 : vector<1x16xi32> to vector<16xi32>
      %mul3A_246 = arith.constant 65536 : i32
      %mul3A_247 = vector.broadcast %mul3A_246 : i32 to vector<16xi32>
      %mul3A_248 = arith.muli %get3A_241, %mul3A_247 : vector<16xi32>
      %add3A_249 = arith.addi %mul3A_248, %get3A_245 : vector<16xi32>
      %swap3A_250 = arith.constant 1 : i32
      %swap3A_251 = arith.index_cast %swap3A_250 : i32 to index
      %swap3A_252 = arith.constant 80 : index
      %swap3A_253 = tpu.vector_load %arg8[%swap3A_251, %swap3A_252] {strides = array<i32>} : memref<4x128xi32, #tpu.memory_space<vmem>>, vector<1x16xi32>,
      %swap3A_254 = vector.shape_cast %swap3A_253 : vector<1x16xi32> to vector<16xi32>
      %swap3A_255 = vector.shape_cast %add3A_249 : vector<16xi32> to vector<1x16xi32>
      tpu.vector_store %arg8[%swap3A_251, %swap3A_252], %swap3A_255 {strides = array<i32>} : memref<4x128xi32, #tpu.memory_space<vmem>>, vector<1x16xi32>,
      %get3A_256 = arith.constant 224 : index
      %get3A_257 = tpu.vector_load %arg6[%get3A_256] {strides = array<i32>} : memref<1024xi32, #tpu.memory_space<vmem>>, vector<16xi32>,
      %get3A_258 = vector.shape_cast %get3A_257 : vector<16xi32> to vector<16xi32>
      %get3A_259 = arith.index_cast %scan3A_19 : i32 to index
      %get3A_260 = arith.constant 224 : index
      %get3A_261 = tpu.vector_load %arg7[%get3A_259, %get3A_260] {strides = array<i32>} : memref<27x1024xi32, #tpu.memory_space<vmem>>, vector<1x16xi32>,
      %get3A_262 = vector.shape_cast %get3A_261 : vector<1x16xi32> to vector<16xi32>
      %mul3A_263 = arith.constant 65536 : i32
      %mul3A_264 = vector.broadcast %mul3A_263 : i32 to vector<16xi32>
      %mul3A_265 = arith.muli %get3A_258, %mul3A_264 : vector<16xi32>
      %add3A_266 = arith.addi %mul3A_265, %get3A_262 : vector<16xi32>
      %swap3A_267 = arith.constant 1 : i32
      %swap3A_268 = arith.index_cast %swap3A_267 : i32 to index
      %swap3A_269 = arith.constant 96 : index
      %swap3A_270 = tpu.vector_load %arg8[%swap3A_268, %swap3A_269] {strides = array<i32>} : memref<4x128xi32, #tpu.memory_space<vmem>>, vector<1x16xi32>,
      %swap3A_271 = vector.shape_cast %swap3A_270 : vector<1x16xi32> to vector<16xi32>
      %swap3A_272 = vector.shape_cast %add3A_266 : vector<16xi32> to vector<1x16xi32>
      tpu.vector_store %arg8[%swap3A_268, %swap3A_269], %swap3A_272 {strides = array<i32>} : memref<4x128xi32, #tpu.memory_space<vmem>>, vector<1x16xi32>,
      %get3A_273 = arith.constant 240 : index
      %get3A_274 = tpu.vector_load %arg6[%get3A_273] {strides = array<i32>} : memref<1024xi32, #tpu.memory_space<vmem>>, vector<16xi32>,
      %get3A_275 = vector.shape_cast %get3A_274 : vector<16xi32> to vector<16xi32>
      %get3A_276 = arith.index_cast %scan3A_19 : i32 to index
      %get3A_277 = arith.constant 240 : index
      %get3A_278 = tpu.vector_load %arg7[%get3A_276, %get3A_277] {strides = array<i32>} : memref<27x1024xi32, #tpu.memory_space<vmem>>, vector<1x16xi32>,
      %get3A_279 = vector.shape_cast %get3A_278 : vector<1x16xi32> to vector<16xi32>
      %mul3A_280 = arith.constant 65536 : i32
      %mul3A_281 = vector.broadcast %mul3A_280 : i32 to vector<16xi32>
      %mul3A_282 = arith.muli %get3A_275, %mul3A_281 : vector<16xi32>
      %add3A_283 = arith.addi %mul3A_282, %get3A_279 : vector<16xi32>
      %swap3A_284 = arith.constant 1 : i32
      %swap3A_285 = arith.index_cast %swap3A_284 : i32 to index
      %swap3A_286 = arith.constant 112 : index
      %swap3A_287 = tpu.vector_load %arg8[%swap3A_285, %swap3A_286] {strides = array<i32>} : memref<4x128xi32, #tpu.memory_space<vmem>>, vector<1x16xi32>,
      %swap3A_288 = vector.shape_cast %swap3A_287 : vector<1x16xi32> to vector<16xi32>
      %swap3A_289 = vector.shape_cast %add3A_283 : vector<16xi32> to vector<1x16xi32>
      tpu.vector_store %arg8[%swap3A_285, %swap3A_286], %swap3A_289 {strides = array<i32>} : memref<4x128xi32, #tpu.memory_space<vmem>>, vector<1x16xi32>,
      %get3A_290 = arith.constant 256 : index
      %get3A_291 = tpu.vector_load %arg6[%get3A_290] {strides = array<i32>} : memref<1024xi32, #tpu.memory_space<vmem>>, vector<16xi32>,
      %get3A_292 = vector.shape_cast %get3A_291 : vector<16xi32> to vector<16xi32>
      %get3A_293 = arith.index_cast %scan3A_19 : i32 to index
      %get3A_294 = arith.constant 256 : index
      %get3A_295 = tpu.vector_load %arg7[%get3A_293, %get3A_294] {strides = array<i32>} : memref<27x1024xi32, #tpu.memory_space<vmem>>, vector<1x16xi32>,
      %get3A_296 = vector.shape_cast %get3A_295 : vector<1x16xi32> to vector<16xi32>
      %mul3A_297 = arith.constant 65536 : i32
      %mul3A_298 = vector.broadcast %mul3A_297 : i32 to vector<16xi32>
      %mul3A_299 = arith.muli %get3A_292, %mul3A_298 : vector<16xi32>
      %add3A_300 = arith.addi %mul3A_299, %get3A_296 : vector<16xi32>
      %swap3A_301 = arith.constant 2 : i32
      %swap3A_302 = arith.index_cast %swap3A_301 : i32 to index
      %swap3A_303 = arith.constant 0 : index
      %swap3A_304 = tpu.vector_load %arg8[%swap3A_302, %swap3A_303] {strides = array<i32>} : memref<4x128xi32, #tpu.memory_space<vmem>>, vector<1x16xi32>,
      %swap3A_305 = vector.shape_cast %swap3A_304 : vector<1x16xi32> to vector<16xi32>
      %swap3A_306 = vector.shape_cast %add3A_300 : vector<16xi32> to vector<1x16xi32>
      tpu.vector_store %arg8[%swap3A_302, %swap3A_303], %swap3A_306 {strides = array<i32>} : memref<4x128xi32, #tpu.memory_space<vmem>>, vector<1x16xi32>,
      %get3A_307 = arith.constant 272 : index
      %get3A_308 = tpu.vector_load %arg6[%get3A_307] {strides = array<i32>} : memref<1024xi32, #tpu.memory_space<vmem>>, vector<16xi32>,
      %get3A_309 = vector.shape_cast %get3A_308 : vector<16xi32> to vector<16xi32>
      %get3A_310 = arith.index_cast %scan3A_19 : i32 to index
      %get3A_311 = arith.constant 272 : index
      %get3A_312 = tpu.vector_load %arg7[%get3A_310, %get3A_311] {strides = array<i32>} : memref<27x1024xi32, #tpu.memory_space<vmem>>, vector<1x16xi32>,
      %get3A_313 = vector.shape_cast %get3A_312 : vector<1x16xi32> to vector<16xi32>
      %mul3A_314 = arith.constant 65536 : i32
      %mul3A_315 = vector.broadcast %mul3A_314 : i32 to vector<16xi32>
      %mul3A_316 = arith.muli %get3A_309, %mul3A_315 : vector<16xi32>
      %add3A_317 = arith.addi %mul3A_316, %get3A_313 : vector<16xi32>
      %swap3A_318 = arith.constant 2 : i32
      %swap3A_319 = arith.index_cast %swap3A_318 : i32 to index
      %swap3A_320 = arith.constant 16 : index
      %swap3A_321 = tpu.vector_load %arg8[%swap3A_319, %swap3A_320] {strides = array<i32>} : memref<4x128xi32, #tpu.memory_space<vmem>>, vector<1x16xi32>,
      %swap3A_322 = vector.shape_cast %swap3A_321 : vector<1x16xi32> to vector<16xi32>
      %swap3A_323 = vector.shape_cast %add3A_317 : vector<16xi32> to vector<1x16xi32>
      tpu.vector_store %arg8[%swap3A_319, %swap3A_320], %swap3A_323 {strides = array<i32>} : memref<4x128xi32, #tpu.memory_space<vmem>>, vector<1x16xi32>,
      %get3A_324 = arith.constant 288 : index
      %get3A_325 = tpu.vector_load %arg6[%get3A_324] {strides = array<i32>} : memref<1024xi32, #tpu.memory_space<vmem>>, vector<16xi32>,
      %get3A_326 = vector.shape_cast %get3A_325 : vector<16xi32> to vector<16xi32>
      %get3A_327 = arith.index_cast %scan3A_19 : i32 to index
      %get3A_328 = arith.constant 288 : index
      %get3A_329 = tpu.vector_load %arg7[%get3A_327, %get3A_328] {strides = array<i32>} : memref<27x1024xi32, #tpu.memory_space<vmem>>, vector<1x16xi32>,
      %get3A_330 = vector.shape_cast %get3A_329 : vector<1x16xi32> to vector<16xi32>
      %mul3A_331 = arith.constant 65536 : i32
      %mul3A_332 = vector.broadcast %mul3A_331 : i32 to vector<16xi32>
      %mul3A_333 = arith.muli %get3A_326, %mul3A_332 : vector<16xi32>
      %add3A_334 = arith.addi %mul3A_333, %get3A_330 : vector<16xi32>
      %swap3A_335 = arith.constant 2 : i32
      %swap3A_336 = arith.index_cast %swap3A_335 : i32 to index
      %swap3A_337 = arith.constant 32 : index
      %swap3A_338 = tpu.vector_load %arg8[%swap3A_336, %swap3A_337] {strides = array<i32>} : memref<4x128xi32, #tpu.memory_space<vmem>>, vector<1x16xi32>,
      %swap3A_339 = vector.shape_cast %swap3A_338 : vector<1x16xi32> to vector<16xi32>
      %swap3A_340 = vector.shape_cast %add3A_334 : vector<16xi32> to vector<1x16xi32>
      tpu.vector_store %arg8[%swap3A_336, %swap3A_337], %swap3A_340 {strides = array<i32>} : memref<4x128xi32, #tpu.memory_space<vmem>>, vector<1x16xi32>,
      %get3A_341 = arith.constant 304 : index
      %get3A_342 = tpu.vector_load %arg6[%get3A_341] {strides = array<i32>} : memref<1024xi32, #tpu.memory_space<vmem>>, vector<16xi32>,
      %get3A_343 = vector.shape_cast %get3A_342 : vector<16xi32> to vector<16xi32>
      %get3A_344 = arith.index_cast %scan3A_19 : i32 to index
      %get3A_345 = arith.constant 304 : index
      %get3A_346 = tpu.vector_load %arg7[%get3A_344, %get3A_345] {strides = array<i32>} : memref<27x1024xi32, #tpu.memory_space<vmem>>, vector<1x16xi32>,
      %get3A_347 = vector.shape_cast %get3A_346 : vector<1x16xi32> to vector<16xi32>
      %mul3A_348 = arith.constant 65536 : i32
      %mul3A_349 = vector.broadcast %mul3A_348 : i32 to vector<16xi32>
      %mul3A_350 = arith.muli %get3A_343, %mul3A_349 : vector<16xi32>
      %add3A_351 = arith.addi %mul3A_350, %get3A_347 : vector<16xi32>
      %swap3A_352 = arith.constant 2 : i32
      %swap3A_353 = arith.index_cast %swap3A_352 : i32 to index
      %swap3A_354 = arith.constant 48 : index
      %swap3A_355 = tpu.vector_load %arg8[%swap3A_353, %swap3A_354] {strides = array<i32>} : memref<4x128xi32, #tpu.memory_space<vmem>>, vector<1x16xi32>,
      %swap3A_356 = vector.shape_cast %swap3A_355 : vector<1x16xi32> to vector<16xi32>
      %swap3A_357 = vector.shape_cast %add3A_351 : vector<16xi32> to vector<1x16xi32>
      tpu.vector_store %arg8[%swap3A_353, %swap3A_354], %swap3A_357 {strides = array<i32>} : memref<4x128xi32, #tpu.memory_space<vmem>>, vector<1x16xi32>,
      %get3A_358 = arith.constant 320 : index
      %get3A_359 = tpu.vector_load %arg6[%get3A_358] {strides = array<i32>} : memref<1024xi32, #tpu.memory_space<vmem>>, vector<16xi32>,
      %get3A_360 = vector.shape_cast %get3A_359 : vector<16xi32> to vector<16xi32>
      %get3A_361 = arith.index_cast %scan3A_19 : i32 to index
      %get3A_362 = arith.constant 320 : index
      %get3A_363 = tpu.vector_load %arg7[%get3A_361, %get3A_362] {strides = array<i32>} : memref<27x1024xi32, #tpu.memory_space<vmem>>, vector<1x16xi32>,
      %get3A_364 = vector.shape_cast %get3A_363 : vector<1x16xi32> to vector<16xi32>
      %mul3A_365 = arith.constant 65536 : i32
      %mul3A_366 = vector.broadcast %mul3A_365 : i32 to vector<16xi32>
      %mul3A_367 = arith.muli %get3A_360, %mul3A_366 : vector<16xi32>
      %add3A_368 = arith.addi %mul3A_367, %get3A_364 : vector<16xi32>
      %swap3A_369 = arith.constant 2 : i32
      %swap3A_370 = arith.index_cast %swap3A_369 : i32 to index
      %swap3A_371 = arith.constant 64 : index
      %swap3A_372 = tpu.vector_load %arg8[%swap3A_370, %swap3A_371] {strides = array<i32>} : memref<4x128xi32, #tpu.memory_space<vmem>>, vector<1x16xi32>,
      %swap3A_373 = vector.shape_cast %swap3A_372 : vector<1x16xi32> to vector<16xi32>
      %swap3A_374 = vector.shape_cast %add3A_368 : vector<16xi32> to vector<1x16xi32>
      tpu.vector_store %arg8[%swap3A_370, %swap3A_371], %swap3A_374 {strides = array<i32>} : memref<4x128xi32, #tpu.memory_space<vmem>>, vector<1x16xi32>,
      %get3A_375 = arith.constant 336 : index
      %get3A_376 = tpu.vector_load %arg6[%get3A_375] {strides = array<i32>} : memref<1024xi32, #tpu.memory_space<vmem>>, vector<16xi32>,
      %get3A_377 = vector.shape_cast %get3A_376 : vector<16xi32> to vector<16xi32>
      %get3A_378 = arith.index_cast %scan3A_19 : i32 to index
      %get3A_379 = arith.constant 336 : index
      %get3A_380 = tpu.vector_load %arg7[%get3A_378, %get3A_379] {strides = array<i32>} : memref<27x1024xi32, #tpu.memory_space<vmem>>, vector<1x16xi32>,
      %get3A_381 = vector.shape_cast %get3A_380 : vector<1x16xi32> to vector<16xi32>
      %mul3A_382 = arith.constant 65536 : i32
      %mul3A_383 = vector.broadcast %mul3A_382 : i32 to vector<16xi32>
      %mul3A_384 = arith.muli %get3A_377, %mul3A_383 : vector<16xi32>
      %add3A_385 = arith.addi %mul3A_384, %get3A_381 : vector<16xi32>
      %swap3A_386 = arith.constant 2 : i32
      %swap3A_387 = arith.index_cast %swap3A_386 : i32 to index
      %swap3A_388 = arith.constant 80 : index
      %swap3A_389 = tpu.vector_load %arg8[%swap3A_387, %swap3A_388] {strides = array<i32>} : memref<4x128xi32, #tpu.memory_space<vmem>>, vector<1x16xi32>,
      %swap3A_390 = vector.shape_cast %swap3A_389 : vector<1x16xi32> to vector<16xi32>
      %swap3A_391 = vector.shape_cast %add3A_385 : vector<16xi32> to vector<1x16xi32>
      tpu.vector_store %arg8[%swap3A_387, %swap3A_388], %swap3A_391 {strides = array<i32>} : memref<4x128xi32, #tpu.memory_space<vmem>>, vector<1x16xi32>,
      %get3A_392 = arith.constant 352 : index
      %get3A_393 = tpu.vector_load %arg6[%get3A_392] {strides = array<i32>} : memref<1024xi32, #tpu.memory_space<vmem>>, vector<16xi32>,
      %get3A_394 = vector.shape_cast %get3A_393 : vector<16xi32> to vector<16xi32>
      %get3A_395 = arith.index_cast %scan3A_19 : i32 to index
      %get3A_396 = arith.constant 352 : index
      %get3A_397 = tpu.vector_load %arg7[%get3A_395, %get3A_396] {strides = array<i32>} : memref<27x1024xi32, #tpu.memory_space<vmem>>, vector<1x16xi32>,
      %get3A_398 = vector.shape_cast %get3A_397 : vector<1x16xi32> to vector<16xi32>
      %mul3A_399 = arith.constant 65536 : i32
      %mul3A_400 = vector.broadcast %mul3A_399 : i32 to vector<16xi32>
      %mul3A_401 = arith.muli %get3A_394, %mul3A_400 : vector<16xi32>
      %add3A_402 = arith.addi %mul3A_401, %get3A_398 : vector<16xi32>
      %swap3A_403 = arith.constant 2 : i32
      %swap3A_404 = arith.index_cast %swap3A_403 : i32 to index
      %swap3A_405 = arith.constant 96 : index
      %swap3A_406 = tpu.vector_load %arg8[%swap3A_404, %swap3A_405] {strides = array<i32>} : memref<4x128xi32, #tpu.memory_space<vmem>>, vector<1x16xi32>,
      %swap3A_407 = vector.shape_cast %swap3A_406 : vector<1x16xi32> to vector<16xi32>
      %swap3A_408 = vector.shape_cast %add3A_402 : vector<16xi32> to vector<1x16xi32>
      tpu.vector_store %arg8[%swap3A_404, %swap3A_405], %swap3A_408 {strides = array<i32>} : memref<4x128xi32, #tpu.memory_space<vmem>>, vector<1x16xi32>,
      %get3A_409 = arith.constant 368 : index
      %get3A_410 = tpu.vector_load %arg6[%get3A_409] {strides = array<i32>} : memref<1024xi32, #tpu.memory_space<vmem>>, vector<16xi32>,
      %get3A_411 = vector.shape_cast %get3A_410 : vector<16xi32> to vector<16xi32>
      %get3A_412 = arith.index_cast %scan3A_19 : i32 to index
      %get3A_413 = arith.constant 368 : index
      %get3A_414 = tpu.vector_load %arg7[%get3A_412, %get3A_413] {strides = array<i32>} : memref<27x1024xi32, #tpu.memory_space<vmem>>, vector<1x16xi32>,
      %get3A_415 = vector.shape_cast %get3A_414 : vector<1x16xi32> to vector<16xi32>
      %mul3A_416 = arith.constant 65536 : i32
      %mul3A_417 = vector.broadcast %mul3A_416 : i32 to vector<16xi32>
      %mul3A_418 = arith.muli %get3A_411, %mul3A_417 : vector<16xi32>
      %add3A_419 = arith.addi %mul3A_418, %get3A_415 : vector<16xi32>
      %swap3A_420 = arith.constant 2 : i32
      %swap3A_421 = arith.index_cast %swap3A_420 : i32 to index
      %swap3A_422 = arith.constant 112 : index
      %swap3A_423 = tpu.vector_load %arg8[%swap3A_421, %swap3A_422] {strides = array<i32>} : memref<4x128xi32, #tpu.memory_space<vmem>>, vector<1x16xi32>,
      %swap3A_424 = vector.shape_cast %swap3A_423 : vector<1x16xi32> to vector<16xi32>
      %swap3A_425 = vector.shape_cast %add3A_419 : vector<16xi32> to vector<1x16xi32>
      tpu.vector_store %arg8[%swap3A_421, %swap3A_422], %swap3A_425 {strides = array<i32>} : memref<4x128xi32, #tpu.memory_space<vmem>>, vector<1x16xi32>,
      %get3A_426 = arith.constant 384 : index
      %get3A_427 = tpu.vector_load %arg6[%get3A_426] {strides = array<i32>} : memref<1024xi32, #tpu.memory_space<vmem>>, vector<16xi32>,
      %get3A_428 = vector.shape_cast %get3A_427 : vector<16xi32> to vector<16xi32>
      %get3A_429 = arith.index_cast %scan3A_19 : i32 to index
      %get3A_430 = arith.constant 384 : index
      %get3A_431 = tpu.vector_load %arg7[%get3A_429, %get3A_430] {strides = array<i32>} : memref<27x1024xi32, #tpu.memory_space<vmem>>, vector<1x16xi32>,
      %get3A_432 = vector.shape_cast %get3A_431 : vector<1x16xi32> to vector<16xi32>
      %mul3A_433 = arith.constant 65536 : i32
      %mul3A_434 = vector.broadcast %mul3A_433 : i32 to vector<16xi32>
      %mul3A_435 = arith.muli %get3A_428, %mul3A_434 : vector<16xi32>
      %add3A_436 = arith.addi %mul3A_435, %get3A_432 : vector<16xi32>
      %swap3A_437 = arith.constant 3 : i32
      %swap3A_438 = arith.index_cast %swap3A_437 : i32 to index
      %swap3A_439 = arith.constant 0 : index
      %swap3A_440 = tpu.vector_load %arg8[%swap3A_438, %swap3A_439] {strides = array<i32>} : memref<4x128xi32, #tpu.memory_space<vmem>>, vector<1x16xi32>,
      %swap3A_441 = vector.shape_cast %swap3A_440 : vector<1x16xi32> to vector<16xi32>
      %swap3A_442 = vector.shape_cast %add3A_436 : vector<16xi32> to vector<1x16xi32>
      tpu.vector_store %arg8[%swap3A_438, %swap3A_439], %swap3A_442 {strides = array<i32>} : memref<4x128xi32, #tpu.memory_space<vmem>>, vector<1x16xi32>,
      %get3A_443 = arith.constant 400 : index
      %get3A_444 = tpu.vector_load %arg6[%get3A_443] {strides = array<i32>} : memref<1024xi32, #tpu.memory_space<vmem>>, vector<16xi32>,
      %get3A_445 = vector.shape_cast %get3A_444 : vector<16xi32> to vector<16xi32>
      %get3A_446 = arith.index_cast %scan3A_19 : i32 to index
      %get3A_447 = arith.constant 400 : index
      %get3A_448 = tpu.vector_load %arg7[%get3A_446, %get3A_447] {strides = array<i32>} : memref<27x1024xi32, #tpu.memory_space<vmem>>, vector<1x16xi32>,
      %get3A_449 = vector.shape_cast %get3A_448 : vector<1x16xi32> to vector<16xi32>
      %mul3A_450 = arith.constant 65536 : i32
      %mul3A_451 = vector.broadcast %mul3A_450 : i32 to vector<16xi32>
      %mul3A_452 = arith.muli %get3A_445, %mul3A_451 : vector<16xi32>
      %add3A_453 = arith.addi %mul3A_452, %get3A_449 : vector<16xi32>
      %swap3A_454 = arith.constant 3 : i32
      %swap3A_455 = arith.index_cast %swap3A_454 : i32 to index
      %swap3A_456 = arith.constant 16 : index
      %swap3A_457 = tpu.vector_load %arg8[%swap3A_455, %swap3A_456] {strides = array<i32>} : memref<4x128xi32, #tpu.memory_space<vmem>>, vector<1x16xi32>,
      %swap3A_458 = vector.shape_cast %swap3A_457 : vector<1x16xi32> to vector<16xi32>
      %swap3A_459 = vector.shape_cast %add3A_453 : vector<16xi32> to vector<1x16xi32>
      tpu.vector_store %arg8[%swap3A_455, %swap3A_456], %swap3A_459 {strides = array<i32>} : memref<4x128xi32, #tpu.memory_space<vmem>>, vector<1x16xi32>,
      %get3A_460 = arith.constant 416 : index
      %get3A_461 = tpu.vector_load %arg6[%get3A_460] {strides = array<i32>} : memref<1024xi32, #tpu.memory_space<vmem>>, vector<16xi32>,
      %get3A_462 = vector.shape_cast %get3A_461 : vector<16xi32> to vector<16xi32>
      %get3A_463 = arith.index_cast %scan3A_19 : i32 to index
      %get3A_464 = arith.constant 416 : index
      %get3A_465 = tpu.vector_load %arg7[%get3A_463, %get3A_464] {strides = array<i32>} : memref<27x1024xi32, #tpu.memory_space<vmem>>, vector<1x16xi32>,
      %get3A_466 = vector.shape_cast %get3A_465 : vector<1x16xi32> to vector<16xi32>
      %mul3A_467 = arith.constant 65536 : i32
      %mul3A_468 = vector.broadcast %mul3A_467 : i32 to vector<16xi32>
      %mul3A_469 = arith.muli %get3A_462, %mul3A_468 : vector<16xi32>
      %add3A_470 = arith.addi %mul3A_469, %get3A_466 : vector<16xi32>
      %swap3A_471 = arith.constant 3 : i32
      %swap3A_472 = arith.index_cast %swap3A_471 : i32 to index
      %swap3A_473 = arith.constant 32 : index
      %swap3A_474 = tpu.vector_load %arg8[%swap3A_472, %swap3A_473] {strides = array<i32>} : memref<4x128xi32, #tpu.memory_space<vmem>>, vector<1x16xi32>,
      %swap3A_475 = vector.shape_cast %swap3A_474 : vector<1x16xi32> to vector<16xi32>
      %swap3A_476 = vector.shape_cast %add3A_470 : vector<16xi32> to vector<1x16xi32>
      tpu.vector_store %arg8[%swap3A_472, %swap3A_473], %swap3A_476 {strides = array<i32>} : memref<4x128xi32, #tpu.memory_space<vmem>>, vector<1x16xi32>,
      %get3A_477 = arith.constant 432 : index
      %get3A_478 = tpu.vector_load %arg6[%get3A_477] {strides = array<i32>} : memref<1024xi32, #tpu.memory_space<vmem>>, vector<16xi32>,
      %get3A_479 = vector.shape_cast %get3A_478 : vector<16xi32> to vector<16xi32>
      %get3A_480 = arith.index_cast %scan3A_19 : i32 to index
      %get3A_481 = arith.constant 432 : index
      %get3A_482 = tpu.vector_load %arg7[%get3A_480, %get3A_481] {strides = array<i32>} : memref<27x1024xi32, #tpu.memory_space<vmem>>, vector<1x16xi32>,
      %get3A_483 = vector.shape_cast %get3A_482 : vector<1x16xi32> to vector<16xi32>
      %mul3A_484 = arith.constant 65536 : i32
      %mul3A_485 = vector.broadcast %mul3A_484 : i32 to vector<16xi32>
      %mul3A_486 = arith.muli %get3A_479, %mul3A_485 : vector<16xi32>
      %add3A_487 = arith.addi %mul3A_486, %get3A_483 : vector<16xi32>
      %swap3A_488 = arith.constant 3 : i32
      %swap3A_489 = arith.index_cast %swap3A_488 : i32 to index
      %swap3A_490 = arith.constant 48 : index
      %swap3A_491 = tpu.vector_load %arg8[%swap3A_489, %swap3A_490] {strides = array<i32>} : memref<4x128xi32, #tpu.memory_space<vmem>>, vector<1x16xi32>,
      %swap3A_492 = vector.shape_cast %swap3A_491 : vector<1x16xi32> to vector<16xi32>
      %swap3A_493 = vector.shape_cast %add3A_487 : vector<16xi32> to vector<1x16xi32>
      tpu.vector_store %arg8[%swap3A_489, %swap3A_490], %swap3A_493 {strides = array<i32>} : memref<4x128xi32, #tpu.memory_space<vmem>>, vector<1x16xi32>,
      %get3A_494 = arith.constant 448 : index
      %get3A_495 = tpu.vector_load %arg6[%get3A_494] {strides = array<i32>} : memref<1024xi32, #tpu.memory_space<vmem>>, vector<16xi32>,
      %get3A_496 = vector.shape_cast %get3A_495 : vector<16xi32> to vector<16xi32>
      %get3A_497 = arith.index_cast %scan3A_19 : i32 to index
      %get3A_498 = arith.constant 448 : index
      %get3A_499 = tpu.vector_load %arg7[%get3A_497, %get3A_498] {strides = array<i32>} : memref<27x1024xi32, #tpu.memory_space<vmem>>, vector<1x16xi32>,
      %get3A_500 = vector.shape_cast %get3A_499 : vector<1x16xi32> to vector<16xi32>
      %mul3A_501 = arith.constant 65536 : i32
      %mul3A_502 = vector.broadcast %mul3A_501 : i32 to vector<16xi32>
      %mul3A_503 = arith.muli %get3A_496, %mul3A_502 : vector<16xi32>
      %add3A_504 = arith.addi %mul3A_503, %get3A_500 : vector<16xi32>
      %swap3A_505 = arith.constant 3 : i32
      %swap3A_506 = arith.index_cast %swap3A_505 : i32 to index
      %swap3A_507 = arith.constant 64 : index
      %swap3A_508 = tpu.vector_load %arg8[%swap3A_506, %swap3A_507] {strides = array<i32>} : memref<4x128xi32, #tpu.memory_space<vmem>>, vector<1x16xi32>,
      %swap3A_509 = vector.shape_cast %swap3A_508 : vector<1x16xi32> to vector<16xi32>
      %swap3A_510 = vector.shape_cast %add3A_504 : vector<16xi32> to vector<1x16xi32>
      tpu.vector_store %arg8[%swap3A_506, %swap3A_507], %swap3A_510 {strides = array<i32>} : memref<4x128xi32, #tpu.memory_space<vmem>>, vector<1x16xi32>,
      %get3A_511 = arith.constant 464 : index
      %get3A_512 = tpu.vector_load %arg6[%get3A_511] {strides = array<i32>} : memref<1024xi32, #tpu.memory_space<vmem>>, vector<16xi32>,
      %get3A_513 = vector.shape_cast %get3A_512 : vector<16xi32> to vector<16xi32>
      %get3A_514 = arith.index_cast %scan3A_19 : i32 to index
      %get3A_515 = arith.constant 464 : index
      %get3A_516 = tpu.vector_load %arg7[%get3A_514, %get3A_515] {strides = array<i32>} : memref<27x1024xi32, #tpu.memory_space<vmem>>, vector<1x16xi32>,
      %get3A_517 = vector.shape_cast %get3A_516 : vector<1x16xi32> to vector<16xi32>
      %mul3A_518 = arith.constant 65536 : i32
      %mul3A_519 = vector.broadcast %mul3A_518 : i32 to vector<16xi32>
      %mul3A_520 = arith.muli %get3A_513, %mul3A_519 : vector<16xi32>
      %add3A_521 = arith.addi %mul3A_520, %get3A_517 : vector<16xi32>
      %swap3A_522 = arith.constant 3 : i32
      %swap3A_523 = arith.index_cast %swap3A_522 : i32 to index
      %swap3A_524 = arith.constant 80 : index
      %swap3A_525 = tpu.vector_load %arg8[%swap3A_523, %swap3A_524] {strides = array<i32>} : memref<4x128xi32, #tpu.memory_space<vmem>>, vector<1x16xi32>,
      %swap3A_526 = vector.shape_cast %swap3A_525 : vector<1x16xi32> to vector<16xi32>
      %swap3A_527 = vector.shape_cast %add3A_521 : vector<16xi32> to vector<1x16xi32>
      tpu.vector_store %arg8[%swap3A_523, %swap3A_524], %swap3A_527 {strides = array<i32>} : memref<4x128xi32, #tpu.memory_space<vmem>>, vector<1x16xi32>,
      %get3A_528 = arith.constant 480 : index
      %get3A_529 = tpu.vector_load %arg6[%get3A_528] {strides = array<i32>} : memref<1024xi32, #tpu.memory_space<vmem>>, vector<16xi32>,
      %get3A_530 = vector.shape_cast %get3A_529 : vector<16xi32> to vector<16xi32>
      %get3A_531 = arith.index_cast %scan3A_19 : i32 to index
      %get3A_532 = arith.constant 480 : index
      %get3A_533 = tpu.vector_load %arg7[%get3A_531, %get3A_532] {strides = array<i32>} : memref<27x1024xi32, #tpu.memory_space<vmem>>, vector<1x16xi32>,
      %get3A_534 = vector.shape_cast %get3A_533 : vector<1x16xi32> to vector<16xi32>
      %mul3A_535 = arith.constant 65536 : i32
      %mul3A_536 = vector.broadcast %mul3A_535 : i32 to vector<16xi32>
      %mul3A_537 = arith.muli %get3A_530, %mul3A_536 : vector<16xi32>
      %add3A_538 = arith.addi %mul3A_537, %get3A_534 : vector<16xi32>
      %swap3A_539 = arith.constant 3 : i32
      %swap3A_540 = arith.index_cast %swap3A_539 : i32 to index
      %swap3A_541 = arith.constant 96 : index
      %swap3A_542 = tpu.vector_load %arg8[%swap3A_540, %swap3A_541] {strides = array<i32>} : memref<4x128xi32, #tpu.memory_space<vmem>>, vector<1x16xi32>,
      %swap3A_543 = vector.shape_cast %swap3A_542 : vector<1x16xi32> to vector<16xi32>
      %swap3A_544 = vector.shape_cast %add3A_538 : vector<16xi32> to vector<1x16xi32>
      tpu.vector_store %arg8[%swap3A_540, %swap3A_541], %swap3A_544 {strides = array<i32>} : memref<4x128xi32, #tpu.memory_space<vmem>>, vector<1x16xi32>,
      %get3A_545 = arith.constant 496 : index
      %get3A_546 = tpu.vector_load %arg6[%get3A_545] {strides = array<i32>} : memref<1024xi32, #tpu.memory_space<vmem>>, vector<16xi32>,
      %get3A_547 = vector.shape_cast %get3A_546 : vector<16xi32> to vector<16xi32>
      %get3A_548 = arith.index_cast %scan3A_19 : i32 to index
      %get3A_549 = arith.constant 496 : index
      %get3A_550 = tpu.vector_load %arg7[%get3A_548, %get3A_549] {strides = array<i32>} : memref<27x1024xi32, #tpu.memory_space<vmem>>, vector<1x16xi32>,
      %get3A_551 = vector.shape_cast %get3A_550 : vector<1x16xi32> to vector<16xi32>
      %mul3A_552 = arith.constant 65536 : i32
      %mul3A_553 = vector.broadcast %mul3A_552 : i32 to vector<16xi32>
      %mul3A_554 = arith.muli %get3A_547, %mul3A_553 : vector<16xi32>
      %add3A_555 = arith.addi %mul3A_554, %get3A_551 : vector<16xi32>
      %swap3A_556 = arith.constant 3 : i32
      %swap3A_557 = arith.index_cast %swap3A_556 : i32 to index
      %swap3A_558 = arith.constant 112 : index
      %swap3A_559 = tpu.vector_load %arg8[%swap3A_557, %swap3A_558] {strides = array<i32>} : memref<4x128xi32, #tpu.memory_space<vmem>>, vector<1x16xi32>,
      %swap3A_560 = vector.shape_cast %swap3A_559 : vector<1x16xi32> to vector<16xi32>
      %swap3A_561 = vector.shape_cast %add3A_555 : vector<16xi32> to vector<1x16xi32>
      tpu.vector_store %arg8[%swap3A_557, %swap3A_558], %swap3A_561 {strides = array<i32>} : memref<4x128xi32, #tpu.memory_space<vmem>>, vector<1x16xi32>,
      %get3A_562 = arith.constant 512 : index
      %get3A_563 = tpu.vector_load %arg6[%get3A_562] {strides = array<i32>} : memref<1024xi32, #tpu.memory_space<vmem>>, vector<16xi32>,
      %get3A_564 = vector.shape_cast %get3A_563 : vector<16xi32> to vector<16xi32>
      %get3A_565 = arith.index_cast %scan3A_19 : i32 to index
      %get3A_566 = arith.constant 512 : index
      %get3A_567 = tpu.vector_load %arg7[%get3A_565, %get3A_566] {strides = array<i32>} : memref<27x1024xi32, #tpu.memory_space<vmem>>, vector<1x16xi32>,
      %get3A_568 = vector.shape_cast %get3A_567 : vector<1x16xi32> to vector<16xi32>
      %mul3A_569 = arith.constant 65536 : i32
      %mul3A_570 = vector.broadcast %mul3A_569 : i32 to vector<16xi32>
      %mul3A_571 = arith.muli %get3A_564, %mul3A_570 : vector<16xi32>
      %add3A_572 = arith.addi %mul3A_571, %get3A_568 : vector<16xi32>
      %swap3A_573 = arith.constant 0 : i32
      %swap3A_574 = arith.index_cast %swap3A_573 : i32 to index
      %swap3A_575 = arith.constant 0 : index
      %swap3A_576 = tpu.vector_load %arg9[%swap3A_574, %swap3A_575] {strides = array<i32>} : memref<4x128xi32, #tpu.memory_space<vmem>>, vector<1x16xi32>,
      %swap3A_577 = vector.shape_cast %swap3A_576 : vector<1x16xi32> to vector<16xi32>
      %swap3A_578 = vector.shape_cast %add3A_572 : vector<16xi32> to vector<1x16xi32>
      tpu.vector_store %arg9[%swap3A_574, %swap3A_575], %swap3A_578 {strides = array<i32>} : memref<4x128xi32, #tpu.memory_space<vmem>>, vector<1x16xi32>,
      %get3A_579 = arith.constant 528 : index
      %get3A_580 = tpu.vector_load %arg6[%get3A_579] {strides = array<i32>} : memref<1024xi32, #tpu.memory_space<vmem>>, vector<16xi32>,
      %get3A_581 = vector.shape_cast %get3A_580 : vector<16xi32> to vector<16xi32>
      %get3A_582 = arith.index_cast %scan3A_19 : i32 to index
      %get3A_583 = arith.constant 528 : index
      %get3A_584 = tpu.vector_load %arg7[%get3A_582, %get3A_583] {strides = array<i32>} : memref<27x1024xi32, #tpu.memory_space<vmem>>, vector<1x16xi32>,
      %get3A_585 = vector.shape_cast %get3A_584 : vector<1x16xi32> to vector<16xi32>
      %mul3A_586 = arith.constant 65536 : i32
      %mul3A_587 = vector.broadcast %mul3A_586 : i32 to vector<16xi32>
      %mul3A_588 = arith.muli %get3A_581, %mul3A_587 : vector<16xi32>
      %add3A_589 = arith.addi %mul3A_588, %get3A_585 : vector<16xi32>
      %swap3A_590 = arith.constant 0 : i32
      %swap3A_591 = arith.index_cast %swap3A_590 : i32 to index
      %swap3A_592 = arith.constant 16 : index
      %swap3A_593 = tpu.vector_load %arg9[%swap3A_591, %swap3A_592] {strides = array<i32>} : memref<4x128xi32, #tpu.memory_space<vmem>>, vector<1x16xi32>,
      %swap3A_594 = vector.shape_cast %swap3A_593 : vector<1x16xi32> to vector<16xi32>
      %swap3A_595 = vector.shape_cast %add3A_589 : vector<16xi32> to vector<1x16xi32>
      tpu.vector_store %arg9[%swap3A_591, %swap3A_592], %swap3A_595 {strides = array<i32>} : memref<4x128xi32, #tpu.memory_space<vmem>>, vector<1x16xi32>,
      %get3A_596 = arith.constant 544 : index
      %get3A_597 = tpu.vector_load %arg6[%get3A_596] {strides = array<i32>} : memref<1024xi32, #tpu.memory_space<vmem>>, vector<16xi32>,
      %get3A_598 = vector.shape_cast %get3A_597 : vector<16xi32> to vector<16xi32>
      %get3A_599 = arith.index_cast %scan3A_19 : i32 to index
      %get3A_600 = arith.constant 544 : index
      %get3A_601 = tpu.vector_load %arg7[%get3A_599, %get3A_600] {strides = array<i32>} : memref<27x1024xi32, #tpu.memory_space<vmem>>, vector<1x16xi32>,
      %get3A_602 = vector.shape_cast %get3A_601 : vector<1x16xi32> to vector<16xi32>
      %mul3A_603 = arith.constant 65536 : i32
      %mul3A_604 = vector.broadcast %mul3A_603 : i32 to vector<16xi32>
      %mul3A_605 = arith.muli %get3A_598, %mul3A_604 : vector<16xi32>
      %add3A_606 = arith.addi %mul3A_605, %get3A_602 : vector<16xi32>
      %swap3A_607 = arith.constant 0 : i32
      %swap3A_608 = arith.index_cast %swap3A_607 : i32 to index
      %swap3A_609 = arith.constant 32 : index
      %swap3A_610 = tpu.vector_load %arg9[%swap3A_608, %swap3A_609] {strides = array<i32>} : memref<4x128xi32, #tpu.memory_space<vmem>>, vector<1x16xi32>,
      %swap3A_611 = vector.shape_cast %swap3A_610 : vector<1x16xi32> to vector<16xi32>
      %swap3A_612 = vector.shape_cast %add3A_606 : vector<16xi32> to vector<1x16xi32>
      tpu.vector_store %arg9[%swap3A_608, %swap3A_609], %swap3A_612 {strides = array<i32>} : memref<4x128xi32, #tpu.memory_space<vmem>>, vector<1x16xi32>,
      %get3A_613 = arith.constant 560 : index
      %get3A_614 = tpu.vector_load %arg6[%get3A_613] {strides = array<i32>} : memref<1024xi32, #tpu.memory_space<vmem>>, vector<16xi32>,
      %get3A_615 = vector.shape_cast %get3A_614 : vector<16xi32> to vector<16xi32>
      %get3A_616 = arith.index_cast %scan3A_19 : i32 to index
      %get3A_617 = arith.constant 560 : index
      %get3A_618 = tpu.vector_load %arg7[%get3A_616, %get3A_617] {strides = array<i32>} : memref<27x1024xi32, #tpu.memory_space<vmem>>, vector<1x16xi32>,
      %get3A_619 = vector.shape_cast %get3A_618 : vector<1x16xi32> to vector<16xi32>
      %mul3A_620 = arith.constant 65536 : i32
      %mul3A_621 = vector.broadcast %mul3A_620 : i32 to vector<16xi32>
      %mul3A_622 = arith.muli %get3A_615, %mul3A_621 : vector<16xi32>
      %add3A_623 = arith.addi %mul3A_622, %get3A_619 : vector<16xi32>
      %swap3A_624 = arith.constant 0 : i32
      %swap3A_625 = arith.index_cast %swap3A_624 : i32 to index
      %swap3A_626 = arith.constant 48 : index
      %swap3A_627 = tpu.vector_load %arg9[%swap3A_625, %swap3A_626] {strides = array<i32>} : memref<4x128xi32, #tpu.memory_space<vmem>>, vector<1x16xi32>,
      %swap3A_628 = vector.shape_cast %swap3A_627 : vector<1x16xi32> to vector<16xi32>
      %swap3A_629 = vector.shape_cast %add3A_623 : vector<16xi32> to vector<1x16xi32>
      tpu.vector_store %arg9[%swap3A_625, %swap3A_626], %swap3A_629 {strides = array<i32>} : memref<4x128xi32, #tpu.memory_space<vmem>>, vector<1x16xi32>,
      %get3A_630 = arith.constant 576 : index
      %get3A_631 = tpu.vector_load %arg6[%get3A_630] {strides = array<i32>} : memref<1024xi32, #tpu.memory_space<vmem>>, vector<16xi32>,
      %get3A_632 = vector.shape_cast %get3A_631 : vector<16xi32> to vector<16xi32>
      %get3A_633 = arith.index_cast %scan3A_19 : i32 to index
      %get3A_634 = arith.constant 576 : index
      %get3A_635 = tpu.vector_load %arg7[%get3A_633, %get3A_634] {strides = array<i32>} : memref<27x1024xi32, #tpu.memory_space<vmem>>, vector<1x16xi32>,
      %get3A_636 = vector.shape_cast %get3A_635 : vector<1x16xi32> to vector<16xi32>
      %mul3A_637 = arith.constant 65536 : i32
      %mul3A_638 = vector.broadcast %mul3A_637 : i32 to vector<16xi32>
      %mul3A_639 = arith.muli %get3A_632, %mul3A_638 : vector<16xi32>
      %add3A_640 = arith.addi %mul3A_639, %get3A_636 : vector<16xi32>
      %swap3A_641 = arith.constant 0 : i32
      %swap3A_642 = arith.index_cast %swap3A_641 : i32 to index
      %swap3A_643 = arith.constant 64 : index
      %swap3A_644 = tpu.vector_load %arg9[%swap3A_642, %swap3A_643] {strides = array<i32>} : memref<4x128xi32, #tpu.memory_space<vmem>>, vector<1x16xi32>,
      %swap3A_645 = vector.shape_cast %swap3A_644 : vector<1x16xi32> to vector<16xi32>
      %swap3A_646 = vector.shape_cast %add3A_640 : vector<16xi32> to vector<1x16xi32>
      tpu.vector_store %arg9[%swap3A_642, %swap3A_643], %swap3A_646 {strides = array<i32>} : memref<4x128xi32, #tpu.memory_space<vmem>>, vector<1x16xi32>,
      %get3A_647 = arith.constant 592 : index
      %get3A_648 = tpu.vector_load %arg6[%get3A_647] {strides = array<i32>} : memref<1024xi32, #tpu.memory_space<vmem>>, vector<16xi32>,
      %get3A_649 = vector.shape_cast %get3A_648 : vector<16xi32> to vector<16xi32>
      %get3A_650 = arith.index_cast %scan3A_19 : i32 to index
      %get3A_651 = arith.constant 592 : index
      %get3A_652 = tpu.vector_load %arg7[%get3A_650, %get3A_651] {strides = array<i32>} : memref<27x1024xi32, #tpu.memory_space<vmem>>, vector<1x16xi32>,
      %get3A_653 = vector.shape_cast %get3A_652 : vector<1x16xi32> to vector<16xi32>
      %mul3A_654 = arith.constant 65536 : i32
      %mul3A_655 = vector.broadcast %mul3A_654 : i32 to vector<16xi32>
      %mul3A_656 = arith.muli %get3A_649, %mul3A_655 : vector<16xi32>
      %add3A_657 = arith.addi %mul3A_656, %get3A_653 : vector<16xi32>
      %swap3A_658 = arith.constant 0 : i32
      %swap3A_659 = arith.index_cast %swap3A_658 : i32 to index
      %swap3A_660 = arith.constant 80 : index
      %swap3A_661 = tpu.vector_load %arg9[%swap3A_659, %swap3A_660] {strides = array<i32>} : memref<4x128xi32, #tpu.memory_space<vmem>>, vector<1x16xi32>,
      %swap3A_662 = vector.shape_cast %swap3A_661 : vector<1x16xi32> to vector<16xi32>
      %swap3A_663 = vector.shape_cast %add3A_657 : vector<16xi32> to vector<1x16xi32>
      tpu.vector_store %arg9[%swap3A_659, %swap3A_660], %swap3A_663 {strides = array<i32>} : memref<4x128xi32, #tpu.memory_space<vmem>>, vector<1x16xi32>,
      %get3A_664 = arith.constant 608 : index
      %get3A_665 = tpu.vector_load %arg6[%get3A_664] {strides = array<i32>} : memref<1024xi32, #tpu.memory_space<vmem>>, vector<16xi32>,
      %get3A_666 = vector.shape_cast %get3A_665 : vector<16xi32> to vector<16xi32>
      %get3A_667 = arith.index_cast %scan3A_19 : i32 to index
      %get3A_668 = arith.constant 608 : index
      %get3A_669 = tpu.vector_load %arg7[%get3A_667, %get3A_668] {strides = array<i32>} : memref<27x1024xi32, #tpu.memory_space<vmem>>, vector<1x16xi32>,
      %get3A_670 = vector.shape_cast %get3A_669 : vector<1x16xi32> to vector<16xi32>
      %mul3A_671 = arith.constant 65536 : i32
      %mul3A_672 = vector.broadcast %mul3A_671 : i32 to vector<16xi32>
      %mul3A_673 = arith.muli %get3A_666, %mul3A_672 : vector<16xi32>
      %add3A_674 = arith.addi %mul3A_673, %get3A_670 : vector<16xi32>
      %swap3A_675 = arith.constant 0 : i32
      %swap3A_676 = arith.index_cast %swap3A_675 : i32 to index
      %swap3A_677 = arith.constant 96 : index
      %swap3A_678 = tpu.vector_load %arg9[%swap3A_676, %swap3A_677] {strides = array<i32>} : memref<4x128xi32, #tpu.memory_space<vmem>>, vector<1x16xi32>,
      %swap3A_679 = vector.shape_cast %swap3A_678 : vector<1x16xi32> to vector<16xi32>
      %swap3A_680 = vector.shape_cast %add3A_674 : vector<16xi32> to vector<1x16xi32>
      tpu.vector_store %arg9[%swap3A_676, %swap3A_677], %swap3A_680 {strides = array<i32>} : memref<4x128xi32, #tpu.memory_space<vmem>>, vector<1x16xi32>,
      %get3A_681 = arith.constant 624 : index
      %get3A_682 = tpu.vector_load %arg6[%get3A_681] {strides = array<i32>} : memref<1024xi32, #tpu.memory_space<vmem>>, vector<16xi32>,
      %get3A_683 = vector.shape_cast %get3A_682 : vector<16xi32> to vector<16xi32>
      %get3A_684 = arith.index_cast %scan3A_19 : i32 to index
      %get3A_685 = arith.constant 624 : index
      %get3A_686 = tpu.vector_load %arg7[%get3A_684, %get3A_685] {strides = array<i32>} : memref<27x1024xi32, #tpu.memory_space<vmem>>, vector<1x16xi32>,
      %get3A_687 = vector.shape_cast %get3A_686 : vector<1x16xi32> to vector<16xi32>
      %mul3A_688 = arith.constant 65536 : i32
      %mul3A_689 = vector.broadcast %mul3A_688 : i32 to vector<16xi32>
      %mul3A_690 = arith.muli %get3A_683, %mul3A_689 : vector<16xi32>
      %add3A_691 = arith.addi %mul3A_690, %get3A_687 : vector<16xi32>
      %swap3A_692 = arith.constant 0 : i32
      %swap3A_693 = arith.index_cast %swap3A_692 : i32 to index
      %swap3A_694 = arith.constant 112 : index
      %swap3A_695 = tpu.vector_load %arg9[%swap3A_693, %swap3A_694] {strides = array<i32>} : memref<4x128xi32, #tpu.memory_space<vmem>>, vector<1x16xi32>,
      %swap3A_696 = vector.shape_cast %swap3A_695 : vector<1x16xi32> to vector<16xi32>
      %swap3A_697 = vector.shape_cast %add3A_691 : vector<16xi32> to vector<1x16xi32>
      tpu.vector_store %arg9[%swap3A_693, %swap3A_694], %swap3A_697 {strides = array<i32>} : memref<4x128xi32, #tpu.memory_space<vmem>>, vector<1x16xi32>,
      %get3A_698 = arith.constant 640 : index
      %get3A_699 = tpu.vector_load %arg6[%get3A_698] {strides = array<i32>} : memref<1024xi32, #tpu.memory_space<vmem>>, vector<16xi32>,
      %get3A_700 = vector.shape_cast %get3A_699 : vector<16xi32> to vector<16xi32>
      %get3A_701 = arith.index_cast %scan3A_19 : i32 to index
      %get3A_702 = arith.constant 640 : index
      %get3A_703 = tpu.vector_load %arg7[%get3A_701, %get3A_702] {strides = array<i32>} : memref<27x1024xi32, #tpu.memory_space<vmem>>, vector<1x16xi32>,
      %get3A_704 = vector.shape_cast %get3A_703 : vector<1x16xi32> to vector<16xi32>
      %mul3A_705 = arith.constant 65536 : i32
      %mul3A_706 = vector.broadcast %mul3A_705 : i32 to vector<16xi32>
      %mul3A_707 = arith.muli %get3A_700, %mul3A_706 : vector<16xi32>
      %add3A_708 = arith.addi %mul3A_707, %get3A_704 : vector<16xi32>
      %swap3A_709 = arith.constant 1 : i32
      %swap3A_710 = arith.index_cast %swap3A_709 : i32 to index
      %swap3A_711 = arith.constant 0 : index
      %swap3A_712 = tpu.vector_load %arg9[%swap3A_710, %swap3A_711] {strides = array<i32>} : memref<4x128xi32, #tpu.memory_space<vmem>>, vector<1x16xi32>,
      %swap3A_713 = vector.shape_cast %swap3A_712 : vector<1x16xi32> to vector<16xi32>
      %swap3A_714 = vector.shape_cast %add3A_708 : vector<16xi32> to vector<1x16xi32>
      tpu.vector_store %arg9[%swap3A_710, %swap3A_711], %swap3A_714 {strides = array<i32>} : memref<4x128xi32, #tpu.memory_space<vmem>>, vector<1x16xi32>,
      %get3A_715 = arith.constant 656 : index
      %get3A_716 = tpu.vector_load %arg6[%get3A_715] {strides = array<i32>} : memref<1024xi32, #tpu.memory_space<vmem>>, vector<16xi32>,
      %get3A_717 = vector.shape_cast %get3A_716 : vector<16xi32> to vector<16xi32>
      %get3A_718 = arith.index_cast %scan3A_19 : i32 to index
      %get3A_719 = arith.constant 656 : index
      %get3A_720 = tpu.vector_load %arg7[%get3A_718, %get3A_719] {strides = array<i32>} : memref<27x1024xi32, #tpu.memory_space<vmem>>, vector<1x16xi32>,
      %get3A_721 = vector.shape_cast %get3A_720 : vector<1x16xi32> to vector<16xi32>
      %mul3A_722 = arith.constant 65536 : i32
      %mul3A_723 = vector.broadcast %mul3A_722 : i32 to vector<16xi32>
      %mul3A_724 = arith.muli %get3A_717, %mul3A_723 : vector<16xi32>
      %add3A_725 = arith.addi %mul3A_724, %get3A_721 : vector<16xi32>
      %swap3A_726 = arith.constant 1 : i32
      %swap3A_727 = arith.index_cast %swap3A_726 : i32 to index
      %swap3A_728 = arith.constant 16 : index
      %swap3A_729 = tpu.vector_load %arg9[%swap3A_727, %swap3A_728] {strides = array<i32>} : memref<4x128xi32, #tpu.memory_space<vmem>>, vector<1x16xi32>,
      %swap3A_730 = vector.shape_cast %swap3A_729 : vector<1x16xi32> to vector<16xi32>
      %swap3A_731 = vector.shape_cast %add3A_725 : vector<16xi32> to vector<1x16xi32>
      tpu.vector_store %arg9[%swap3A_727, %swap3A_728], %swap3A_731 {strides = array<i32>} : memref<4x128xi32, #tpu.memory_space<vmem>>, vector<1x16xi32>,
      %get3A_732 = arith.constant 672 : index
      %get3A_733 = tpu.vector_load %arg6[%get3A_732] {strides = array<i32>} : memref<1024xi32, #tpu.memory_space<vmem>>, vector<16xi32>,
      %get3A_734 = vector.shape_cast %get3A_733 : vector<16xi32> to vector<16xi32>
      %get3A_735 = arith.index_cast %scan3A_19 : i32 to index
      %get3A_736 = arith.constant 672 : index
      %get3A_737 = tpu.vector_load %arg7[%get3A_735, %get3A_736] {strides = array<i32>} : memref<27x1024xi32, #tpu.memory_space<vmem>>, vector<1x16xi32>,
      %get3A_738 = vector.shape_cast %get3A_737 : vector<1x16xi32> to vector<16xi32>
      %mul3A_739 = arith.constant 65536 : i32
      %mul3A_740 = vector.broadcast %mul3A_739 : i32 to vector<16xi32>
      %mul3A_741 = arith.muli %get3A_734, %mul3A_740 : vector<16xi32>
      %add3A_742 = arith.addi %mul3A_741, %get3A_738 : vector<16xi32>
      %swap3A_743 = arith.constant 1 : i32
      %swap3A_744 = arith.index_cast %swap3A_743 : i32 to index
      %swap3A_745 = arith.constant 32 : index
      %swap3A_746 = tpu.vector_load %arg9[%swap3A_744, %swap3A_745] {strides = array<i32>} : memref<4x128xi32, #tpu.memory_space<vmem>>, vector<1x16xi32>,
      %swap3A_747 = vector.shape_cast %swap3A_746 : vector<1x16xi32> to vector<16xi32>
      %swap3A_748 = vector.shape_cast %add3A_742 : vector<16xi32> to vector<1x16xi32>
      tpu.vector_store %arg9[%swap3A_744, %swap3A_745], %swap3A_748 {strides = array<i32>} : memref<4x128xi32, #tpu.memory_space<vmem>>, vector<1x16xi32>,
      %get3A_749 = arith.constant 688 : index
      %get3A_750 = tpu.vector_load %arg6[%get3A_749] {strides = array<i32>} : memref<1024xi32, #tpu.memory_space<vmem>>, vector<16xi32>,
      %get3A_751 = vector.shape_cast %get3A_750 : vector<16xi32> to vector<16xi32>
      %get3A_752 = arith.index_cast %scan3A_19 : i32 to index
      %get3A_753 = arith.constant 688 : index
      %get3A_754 = tpu.vector_load %arg7[%get3A_752, %get3A_753] {strides = array<i32>} : memref<27x1024xi32, #tpu.memory_space<vmem>>, vector<1x16xi32>,
      %get3A_755 = vector.shape_cast %get3A_754 : vector<1x16xi32> to vector<16xi32>
      %mul3A_756 = arith.constant 65536 : i32
      %mul3A_757 = vector.broadcast %mul3A_756 : i32 to vector<16xi32>
      %mul3A_758 = arith.muli %get3A_751, %mul3A_757 : vector<16xi32>
      %add3A_759 = arith.addi %mul3A_758, %get3A_755 : vector<16xi32>
      %swap3A_760 = arith.constant 1 : i32
      %swap3A_761 = arith.index_cast %swap3A_760 : i32 to index
      %swap3A_762 = arith.constant 48 : index
      %swap3A_763 = tpu.vector_load %arg9[%swap3A_761, %swap3A_762] {strides = array<i32>} : memref<4x128xi32, #tpu.memory_space<vmem>>, vector<1x16xi32>,
      %swap3A_764 = vector.shape_cast %swap3A_763 : vector<1x16xi32> to vector<16xi32>
      %swap3A_765 = vector.shape_cast %add3A_759 : vector<16xi32> to vector<1x16xi32>
      tpu.vector_store %arg9[%swap3A_761, %swap3A_762], %swap3A_765 {strides = array<i32>} : memref<4x128xi32, #tpu.memory_space<vmem>>, vector<1x16xi32>,
      %get3A_766 = arith.constant 704 : index
      %get3A_767 = tpu.vector_load %arg6[%get3A_766] {strides = array<i32>} : memref<1024xi32, #tpu.memory_space<vmem>>, vector<16xi32>,
      %get3A_768 = vector.shape_cast %get3A_767 : vector<16xi32> to vector<16xi32>
      %get3A_769 = arith.index_cast %scan3A_19 : i32 to index
      %get3A_770 = arith.constant 704 : index
      %get3A_771 = tpu.vector_load %arg7[%get3A_769, %get3A_770] {strides = array<i32>} : memref<27x1024xi32, #tpu.memory_space<vmem>>, vector<1x16xi32>,
      %get3A_772 = vector.shape_cast %get3A_771 : vector<1x16xi32> to vector<16xi32>
      %mul3A_773 = arith.constant 65536 : i32
      %mul3A_774 = vector.broadcast %mul3A_773 : i32 to vector<16xi32>
      %mul3A_775 = arith.muli %get3A_768, %mul3A_774 : vector<16xi32>
      %add3A_776 = arith.addi %mul3A_775, %get3A_772 : vector<16xi32>
      %swap3A_777 = arith.constant 1 : i32
      %swap3A_778 = arith.index_cast %swap3A_777 : i32 to index
      %swap3A_779 = arith.constant 64 : index
      %swap3A_780 = tpu.vector_load %arg9[%swap3A_778, %swap3A_779] {strides = array<i32>} : memref<4x128xi32, #tpu.memory_space<vmem>>, vector<1x16xi32>,
      %swap3A_781 = vector.shape_cast %swap3A_780 : vector<1x16xi32> to vector<16xi32>
      %swap3A_782 = vector.shape_cast %add3A_776 : vector<16xi32> to vector<1x16xi32>
      tpu.vector_store %arg9[%swap3A_778, %swap3A_779], %swap3A_782 {strides = array<i32>} : memref<4x128xi32, #tpu.memory_space<vmem>>, vector<1x16xi32>,
      %get3A_783 = arith.constant 720 : index
      %get3A_784 = tpu.vector_load %arg6[%get3A_783] {strides = array<i32>} : memref<1024xi32, #tpu.memory_space<vmem>>, vector<16xi32>,
      %get3A_785 = vector.shape_cast %get3A_784 : vector<16xi32> to vector<16xi32>
      %get3A_786 = arith.index_cast %scan3A_19 : i32 to index
      %get3A_787 = arith.constant 720 : index
      %get3A_788 = tpu.vector_load %arg7[%get3A_786, %get3A_787] {strides = array<i32>} : memref<27x1024xi32, #tpu.memory_space<vmem>>, vector<1x16xi32>,
      %get3A_789 = vector.shape_cast %get3A_788 : vector<1x16xi32> to vector<16xi32>
      %mul3A_790 = arith.constant 65536 : i32
      %mul3A_791 = vector.broadcast %mul3A_790 : i32 to vector<16xi32>
      %mul3A_792 = arith.muli %get3A_785, %mul3A_791 : vector<16xi32>
      %add3A_793 = arith.addi %mul3A_792, %get3A_789 : vector<16xi32>
      %swap3A_794 = arith.constant 1 : i32
      %swap3A_795 = arith.index_cast %swap3A_794 : i32 to index
      %swap3A_796 = arith.constant 80 : index
      %swap3A_797 = tpu.vector_load %arg9[%swap3A_795, %swap3A_796] {strides = array<i32>} : memref<4x128xi32, #tpu.memory_space<vmem>>, vector<1x16xi32>,
      %swap3A_798 = vector.shape_cast %swap3A_797 : vector<1x16xi32> to vector<16xi32>
      %swap3A_799 = vector.shape_cast %add3A_793 : vector<16xi32> to vector<1x16xi32>
      tpu.vector_store %arg9[%swap3A_795, %swap3A_796], %swap3A_799 {strides = array<i32>} : memref<4x128xi32, #tpu.memory_space<vmem>>, vector<1x16xi32>,
      %get3A_800 = arith.constant 736 : index
      %get3A_801 = tpu.vector_load %arg6[%get3A_800] {strides = array<i32>} : memref<1024xi32, #tpu.memory_space<vmem>>, vector<16xi32>,
      %get3A_802 = vector.shape_cast %get3A_801 : vector<16xi32> to vector<16xi32>
      %get3A_803 = arith.index_cast %scan3A_19 : i32 to index
      %get3A_804 = arith.constant 736 : index
      %get3A_805 = tpu.vector_load %arg7[%get3A_803, %get3A_804] {strides = array<i32>} : memref<27x1024xi32, #tpu.memory_space<vmem>>, vector<1x16xi32>,
      %get3A_806 = vector.shape_cast %get3A_805 : vector<1x16xi32> to vector<16xi32>
      %mul3A_807 = arith.constant 65536 : i32
      %mul3A_808 = vector.broadcast %mul3A_807 : i32 to vector<16xi32>
      %mul3A_809 = arith.muli %get3A_802, %mul3A_808 : vector<16xi32>
      %add3A_810 = arith.addi %mul3A_809, %get3A_806 : vector<16xi32>
      %swap3A_811 = arith.constant 1 : i32
      %swap3A_812 = arith.index_cast %swap3A_811 : i32 to index
      %swap3A_813 = arith.constant 96 : index
      %swap3A_814 = tpu.vector_load %arg9[%swap3A_812, %swap3A_813] {strides = array<i32>} : memref<4x128xi32, #tpu.memory_space<vmem>>, vector<1x16xi32>,
      %swap3A_815 = vector.shape_cast %swap3A_814 : vector<1x16xi32> to vector<16xi32>
      %swap3A_816 = vector.shape_cast %add3A_810 : vector<16xi32> to vector<1x16xi32>
      tpu.vector_store %arg9[%swap3A_812, %swap3A_813], %swap3A_816 {strides = array<i32>} : memref<4x128xi32, #tpu.memory_space<vmem>>, vector<1x16xi32>,
      %get3A_817 = arith.constant 752 : index
      %get3A_818 = tpu.vector_load %arg6[%get3A_817] {strides = array<i32>} : memref<1024xi32, #tpu.memory_space<vmem>>, vector<16xi32>,
      %get3A_819 = vector.shape_cast %get3A_818 : vector<16xi32> to vector<16xi32>
      %get3A_820 = arith.index_cast %scan3A_19 : i32 to index
      %get3A_821 = arith.constant 752 : index
      %get3A_822 = tpu.vector_load %arg7[%get3A_820, %get3A_821] {strides = array<i32>} : memref<27x1024xi32, #tpu.memory_space<vmem>>, vector<1x16xi32>,
      %get3A_823 = vector.shape_cast %get3A_822 : vector<1x16xi32> to vector<16xi32>
      %mul3A_824 = arith.constant 65536 : i32
      %mul3A_825 = vector.broadcast %mul3A_824 : i32 to vector<16xi32>
      %mul3A_826 = arith.muli %get3A_819, %mul3A_825 : vector<16xi32>
      %add3A_827 = arith.addi %mul3A_826, %get3A_823 : vector<16xi32>
      %swap3A_828 = arith.constant 1 : i32
      %swap3A_829 = arith.index_cast %swap3A_828 : i32 to index
      %swap3A_830 = arith.constant 112 : index
      %swap3A_831 = tpu.vector_load %arg9[%swap3A_829, %swap3A_830] {strides = array<i32>} : memref<4x128xi32, #tpu.memory_space<vmem>>, vector<1x16xi32>,
      %swap3A_832 = vector.shape_cast %swap3A_831 : vector<1x16xi32> to vector<16xi32>
      %swap3A_833 = vector.shape_cast %add3A_827 : vector<16xi32> to vector<1x16xi32>
      tpu.vector_store %arg9[%swap3A_829, %swap3A_830], %swap3A_833 {strides = array<i32>} : memref<4x128xi32, #tpu.memory_space<vmem>>, vector<1x16xi32>,
      %get3A_834 = arith.constant 768 : index
      %get3A_835 = tpu.vector_load %arg6[%get3A_834] {strides = array<i32>} : memref<1024xi32, #tpu.memory_space<vmem>>, vector<16xi32>,
      %get3A_836 = vector.shape_cast %get3A_835 : vector<16xi32> to vector<16xi32>
      %get3A_837 = arith.index_cast %scan3A_19 : i32 to index
      %get3A_838 = arith.constant 768 : index
      %get3A_839 = tpu.vector_load %arg7[%get3A_837, %get3A_838] {strides = array<i32>} : memref<27x1024xi32, #tpu.memory_space<vmem>>, vector<1x16xi32>,
      %get3A_840 = vector.shape_cast %get3A_839 : vector<1x16xi32> to vector<16xi32>
      %mul3A_841 = arith.constant 65536 : i32
      %mul3A_842 = vector.broadcast %mul3A_841 : i32 to vector<16xi32>
      %mul3A_843 = arith.muli %get3A_836, %mul3A_842 : vector<16xi32>
      %add3A_844 = arith.addi %mul3A_843, %get3A_840 : vector<16xi32>
      %swap3A_845 = arith.constant 2 : i32
      %swap3A_846 = arith.index_cast %swap3A_845 : i32 to index
      %swap3A_847 = arith.constant 0 : index
      %swap3A_848 = tpu.vector_load %arg9[%swap3A_846, %swap3A_847] {strides = array<i32>} : memref<4x128xi32, #tpu.memory_space<vmem>>, vector<1x16xi32>,
      %swap3A_849 = vector.shape_cast %swap3A_848 : vector<1x16xi32> to vector<16xi32>
      %swap3A_850 = vector.shape_cast %add3A_844 : vector<16xi32> to vector<1x16xi32>
      tpu.vector_store %arg9[%swap3A_846, %swap3A_847], %swap3A_850 {strides = array<i32>} : memref<4x128xi32, #tpu.memory_space<vmem>>, vector<1x16xi32>,
      %get3A_851 = arith.constant 784 : index
      %get3A_852 = tpu.vector_load %arg6[%get3A_851] {strides = array<i32>} : memref<1024xi32, #tpu.memory_space<vmem>>, vector<16xi32>,
      %get3A_853 = vector.shape_cast %get3A_852 : vector<16xi32> to vector<16xi32>
      %get3A_854 = arith.index_cast %scan3A_19 : i32 to index
      %get3A_855 = arith.constant 784 : index
      %get3A_856 = tpu.vector_load %arg7[%get3A_854, %get3A_855] {strides = array<i32>} : memref<27x1024xi32, #tpu.memory_space<vmem>>, vector<1x16xi32>,
      %get3A_857 = vector.shape_cast %get3A_856 : vector<1x16xi32> to vector<16xi32>
      %mul3A_858 = arith.constant 65536 : i32
      %mul3A_859 = vector.broadcast %mul3A_858 : i32 to vector<16xi32>
      %mul3A_860 = arith.muli %get3A_853, %mul3A_859 : vector<16xi32>
      %add3A_861 = arith.addi %mul3A_860, %get3A_857 : vector<16xi32>
      %swap3A_862 = arith.constant 2 : i32
      %swap3A_863 = arith.index_cast %swap3A_862 : i32 to index
      %swap3A_864 = arith.constant 16 : index
      %swap3A_865 = tpu.vector_load %arg9[%swap3A_863, %swap3A_864] {strides = array<i32>} : memref<4x128xi32, #tpu.memory_space<vmem>>, vector<1x16xi32>,
      %swap3A_866 = vector.shape_cast %swap3A_865 : vector<1x16xi32> to vector<16xi32>
      %swap3A_867 = vector.shape_cast %add3A_861 : vector<16xi32> to vector<1x16xi32>
      tpu.vector_store %arg9[%swap3A_863, %swap3A_864], %swap3A_867 {strides = array<i32>} : memref<4x128xi32, #tpu.memory_space<vmem>>, vector<1x16xi32>,
      %get3A_868 = arith.constant 800 : index
      %get3A_869 = tpu.vector_load %arg6[%get3A_868] {strides = array<i32>} : memref<1024xi32, #tpu.memory_space<vmem>>, vector<16xi32>,
      %get3A_870 = vector.shape_cast %get3A_869 : vector<16xi32> to vector<16xi32>
      %get3A_871 = arith.index_cast %scan3A_19 : i32 to index
      %get3A_872 = arith.constant 800 : index
      %get3A_873 = tpu.vector_load %arg7[%get3A_871, %get3A_872] {strides = array<i32>} : memref<27x1024xi32, #tpu.memory_space<vmem>>, vector<1x16xi32>,
      %get3A_874 = vector.shape_cast %get3A_873 : vector<1x16xi32> to vector<16xi32>
      %mul3A_875 = arith.constant 65536 : i32
      %mul3A_876 = vector.broadcast %mul3A_875 : i32 to vector<16xi32>
      %mul3A_877 = arith.muli %get3A_870, %mul3A_876 : vector<16xi32>
      %add3A_878 = arith.addi %mul3A_877, %get3A_874 : vector<16xi32>
      %swap3A_879 = arith.constant 2 : i32
      %swap3A_880 = arith.index_cast %swap3A_879 : i32 to index
      %swap3A_881 = arith.constant 32 : index
      %swap3A_882 = tpu.vector_load %arg9[%swap3A_880, %swap3A_881] {strides = array<i32>} : memref<4x128xi32, #tpu.memory_space<vmem>>, vector<1x16xi32>,
      %swap3A_883 = vector.shape_cast %swap3A_882 : vector<1x16xi32> to vector<16xi32>
      %swap3A_884 = vector.shape_cast %add3A_878 : vector<16xi32> to vector<1x16xi32>
      tpu.vector_store %arg9[%swap3A_880, %swap3A_881], %swap3A_884 {strides = array<i32>} : memref<4x128xi32, #tpu.memory_space<vmem>>, vector<1x16xi32>,
      %get3A_885 = arith.constant 816 : index
      %get3A_886 = tpu.vector_load %arg6[%get3A_885] {strides = array<i32>} : memref<1024xi32, #tpu.memory_space<vmem>>, vector<16xi32>,
      %get3A_887 = vector.shape_cast %get3A_886 : vector<16xi32> to vector<16xi32>
      %get3A_888 = arith.index_cast %scan3A_19 : i32 to index
      %get3A_889 = arith.constant 816 : index
      %get3A_890 = tpu.vector_load %arg7[%get3A_888, %get3A_889] {strides = array<i32>} : memref<27x1024xi32, #tpu.memory_space<vmem>>, vector<1x16xi32>,
      %get3A_891 = vector.shape_cast %get3A_890 : vector<1x16xi32> to vector<16xi32>
      %mul3A_892 = arith.constant 65536 : i32
      %mul3A_893 = vector.broadcast %mul3A_892 : i32 to vector<16xi32>
      %mul3A_894 = arith.muli %get3A_887, %mul3A_893 : vector<16xi32>
      %add3A_895 = arith.addi %mul3A_894, %get3A_891 : vector<16xi32>
      %swap3A_896 = arith.constant 2 : i32
      %swap3A_897 = arith.index_cast %swap3A_896 : i32 to index
      %swap3A_898 = arith.constant 48 : index
      %swap3A_899 = tpu.vector_load %arg9[%swap3A_897, %swap3A_898] {strides = array<i32>} : memref<4x128xi32, #tpu.memory_space<vmem>>, vector<1x16xi32>,
      %swap3A_900 = vector.shape_cast %swap3A_899 : vector<1x16xi32> to vector<16xi32>
      %swap3A_901 = vector.shape_cast %add3A_895 : vector<16xi32> to vector<1x16xi32>
      tpu.vector_store %arg9[%swap3A_897, %swap3A_898], %swap3A_901 {strides = array<i32>} : memref<4x128xi32, #tpu.memory_space<vmem>>, vector<1x16xi32>,
      %get3A_902 = arith.constant 832 : index
      %get3A_903 = tpu.vector_load %arg6[%get3A_902] {strides = array<i32>} : memref<1024xi32, #tpu.memory_space<vmem>>, vector<16xi32>,
      %get3A_904 = vector.shape_cast %get3A_903 : vector<16xi32> to vector<16xi32>
      %get3A_905 = arith.index_cast %scan3A_19 : i32 to index
      %get3A_906 = arith.constant 832 : index
      %get3A_907 = tpu.vector_load %arg7[%get3A_905, %get3A_906] {strides = array<i32>} : memref<27x1024xi32, #tpu.memory_space<vmem>>, vector<1x16xi32>,
      %get3A_908 = vector.shape_cast %get3A_907 : vector<1x16xi32> to vector<16xi32>
      %mul3A_909 = arith.constant 65536 : i32
      %mul3A_910 = vector.broadcast %mul3A_909 : i32 to vector<16xi32>
      %mul3A_911 = arith.muli %get3A_904, %mul3A_910 : vector<16xi32>
      %add3A_912 = arith.addi %mul3A_911, %get3A_908 : vector<16xi32>
      %swap3A_913 = arith.constant 2 : i32
      %swap3A_914 = arith.index_cast %swap3A_913 : i32 to index
      %swap3A_915 = arith.constant 64 : index
      %swap3A_916 = tpu.vector_load %arg9[%swap3A_914, %swap3A_915] {strides = array<i32>} : memref<4x128xi32, #tpu.memory_space<vmem>>, vector<1x16xi32>,
      %swap3A_917 = vector.shape_cast %swap3A_916 : vector<1x16xi32> to vector<16xi32>
      %swap3A_918 = vector.shape_cast %add3A_912 : vector<16xi32> to vector<1x16xi32>
      tpu.vector_store %arg9[%swap3A_914, %swap3A_915], %swap3A_918 {strides = array<i32>} : memref<4x128xi32, #tpu.memory_space<vmem>>, vector<1x16xi32>,
      %get3A_919 = arith.constant 848 : index
      %get3A_920 = tpu.vector_load %arg6[%get3A_919] {strides = array<i32>} : memref<1024xi32, #tpu.memory_space<vmem>>, vector<16xi32>,
      %get3A_921 = vector.shape_cast %get3A_920 : vector<16xi32> to vector<16xi32>
      %get3A_922 = arith.index_cast %scan3A_19 : i32 to index
      %get3A_923 = arith.constant 848 : index
      %get3A_924 = tpu.vector_load %arg7[%get3A_922, %get3A_923] {strides = array<i32>} : memref<27x1024xi32, #tpu.memory_space<vmem>>, vector<1x16xi32>,
      %get3A_925 = vector.shape_cast %get3A_924 : vector<1x16xi32> to vector<16xi32>
      %mul3A_926 = arith.constant 65536 : i32
      %mul3A_927 = vector.broadcast %mul3A_926 : i32 to vector<16xi32>
      %mul3A_928 = arith.muli %get3A_921, %mul3A_927 : vector<16xi32>
      %add3A_929 = arith.addi %mul3A_928, %get3A_925 : vector<16xi32>
      %swap3A_930 = arith.constant 2 : i32
      %swap3A_931 = arith.index_cast %swap3A_930 : i32 to index
      %swap3A_932 = arith.constant 80 : index
      %swap3A_933 = tpu.vector_load %arg9[%swap3A_931, %swap3A_932] {strides = array<i32>} : memref<4x128xi32, #tpu.memory_space<vmem>>, vector<1x16xi32>,
      %swap3A_934 = vector.shape_cast %swap3A_933 : vector<1x16xi32> to vector<16xi32>
      %swap3A_935 = vector.shape_cast %add3A_929 : vector<16xi32> to vector<1x16xi32>
      tpu.vector_store %arg9[%swap3A_931, %swap3A_932], %swap3A_935 {strides = array<i32>} : memref<4x128xi32, #tpu.memory_space<vmem>>, vector<1x16xi32>,
      %get3A_936 = arith.constant 864 : index
      %get3A_937 = tpu.vector_load %arg6[%get3A_936] {strides = array<i32>} : memref<1024xi32, #tpu.memory_space<vmem>>, vector<16xi32>,
      %get3A_938 = vector.shape_cast %get3A_937 : vector<16xi32> to vector<16xi32>
      %get3A_939 = arith.index_cast %scan3A_19 : i32 to index
      %get3A_940 = arith.constant 864 : index
      %get3A_941 = tpu.vector_load %arg7[%get3A_939, %get3A_940] {strides = array<i32>} : memref<27x1024xi32, #tpu.memory_space<vmem>>, vector<1x16xi32>,
      %get3A_942 = vector.shape_cast %get3A_941 : vector<1x16xi32> to vector<16xi32>
      %mul3A_943 = arith.constant 65536 : i32
      %mul3A_944 = vector.broadcast %mul3A_943 : i32 to vector<16xi32>
      %mul3A_945 = arith.muli %get3A_938, %mul3A_944 : vector<16xi32>
      %add3A_946 = arith.addi %mul3A_945, %get3A_942 : vector<16xi32>
      %swap3A_947 = arith.constant 2 : i32
      %swap3A_948 = arith.index_cast %swap3A_947 : i32 to index
      %swap3A_949 = arith.constant 96 : index
      %swap3A_950 = tpu.vector_load %arg9[%swap3A_948, %swap3A_949] {strides = array<i32>} : memref<4x128xi32, #tpu.memory_space<vmem>>, vector<1x16xi32>,
      %swap3A_951 = vector.shape_cast %swap3A_950 : vector<1x16xi32> to vector<16xi32>
      %swap3A_952 = vector.shape_cast %add3A_946 : vector<16xi32> to vector<1x16xi32>
      tpu.vector_store %arg9[%swap3A_948, %swap3A_949], %swap3A_952 {strides = array<i32>} : memref<4x128xi32, #tpu.memory_space<vmem>>, vector<1x16xi32>,
      %get3A_953 = arith.constant 880 : index
      %get3A_954 = tpu.vector_load %arg6[%get3A_953] {strides = array<i32>} : memref<1024xi32, #tpu.memory_space<vmem>>, vector<16xi32>,
      %get3A_955 = vector.shape_cast %get3A_954 : vector<16xi32> to vector<16xi32>
      %get3A_956 = arith.index_cast %scan3A_19 : i32 to index
      %get3A_957 = arith.constant 880 : index
      %get3A_958 = tpu.vector_load %arg7[%get3A_956, %get3A_957] {strides = array<i32>} : memref<27x1024xi32, #tpu.memory_space<vmem>>, vector<1x16xi32>,
      %get3A_959 = vector.shape_cast %get3A_958 : vector<1x16xi32> to vector<16xi32>
      %mul3A_960 = arith.constant 65536 : i32
      %mul3A_961 = vector.broadcast %mul3A_960 : i32 to vector<16xi32>
      %mul3A_962 = arith.muli %get3A_955, %mul3A_961 : vector<16xi32>
      %add3A_963 = arith.addi %mul3A_962, %get3A_959 : vector<16xi32>
      %swap3A_964 = arith.constant 2 : i32
      %swap3A_965 = arith.index_cast %swap3A_964 : i32 to index
      %swap3A_966 = arith.constant 112 : index
      %swap3A_967 = tpu.vector_load %arg9[%swap3A_965, %swap3A_966] {strides = array<i32>} : memref<4x128xi32, #tpu.memory_space<vmem>>, vector<1x16xi32>,
      %swap3A_968 = vector.shape_cast %swap3A_967 : vector<1x16xi32> to vector<16xi32>
      %swap3A_969 = vector.shape_cast %add3A_963 : vector<16xi32> to vector<1x16xi32>
      tpu.vector_store %arg9[%swap3A_965, %swap3A_966], %swap3A_969 {strides = array<i32>} : memref<4x128xi32, #tpu.memory_space<vmem>>, vector<1x16xi32>,
      %get3A_970 = arith.constant 896 : index
      %get3A_971 = tpu.vector_load %arg6[%get3A_970] {strides = array<i32>} : memref<1024xi32, #tpu.memory_space<vmem>>, vector<16xi32>,
      %get3A_972 = vector.shape_cast %get3A_971 : vector<16xi32> to vector<16xi32>
      %get3A_973 = arith.index_cast %scan3A_19 : i32 to index
      %get3A_974 = arith.constant 896 : index
      %get3A_975 = tpu.vector_load %arg7[%get3A_973, %get3A_974] {strides = array<i32>} : memref<27x1024xi32, #tpu.memory_space<vmem>>, vector<1x16xi32>,
      %get3A_976 = vector.shape_cast %get3A_975 : vector<1x16xi32> to vector<16xi32>
      %mul3A_977 = arith.constant 65536 : i32
      %mul3A_978 = vector.broadcast %mul3A_977 : i32 to vector<16xi32>
      %mul3A_979 = arith.muli %get3A_972, %mul3A_978 : vector<16xi32>
      %add3A_980 = arith.addi %mul3A_979, %get3A_976 : vector<16xi32>
      %swap3A_981 = arith.constant 3 : i32
      %swap3A_982 = arith.index_cast %swap3A_981 : i32 to index
      %swap3A_983 = arith.constant 0 : index
      %swap3A_984 = tpu.vector_load %arg9[%swap3A_982, %swap3A_983] {strides = array<i32>} : memref<4x128xi32, #tpu.memory_space<vmem>>, vector<1x16xi32>,
      %swap3A_985 = vector.shape_cast %swap3A_984 : vector<1x16xi32> to vector<16xi32>
      %swap3A_986 = vector.shape_cast %add3A_980 : vector<16xi32> to vector<1x16xi32>
      tpu.vector_store %arg9[%swap3A_982, %swap3A_983], %swap3A_986 {strides = array<i32>} : memref<4x128xi32, #tpu.memory_space<vmem>>, vector<1x16xi32>,
      %get3A_987 = arith.constant 912 : index
      %get3A_988 = tpu.vector_load %arg6[%get3A_987] {strides = array<i32>} : memref<1024xi32, #tpu.memory_space<vmem>>, vector<16xi32>,
      %get3A_989 = vector.shape_cast %get3A_988 : vector<16xi32> to vector<16xi32>
      %get3A_990 = arith.index_cast %scan3A_19 : i32 to index
      %get3A_991 = arith.constant 912 : index
      %get3A_992 = tpu.vector_load %arg7[%get3A_990, %get3A_991] {strides = array<i32>} : memref<27x1024xi32, #tpu.memory_space<vmem>>, vector<1x16xi32>,
      %get3A_993 = vector.shape_cast %get3A_992 : vector<1x16xi32> to vector<16xi32>
      %mul3A_994 = arith.constant 65536 : i32
      %mul3A_995 = vector.broadcast %mul3A_994 : i32 to vector<16xi32>
      %mul3A_996 = arith.muli %get3A_989, %mul3A_995 : vector<16xi32>
      %add3A_997 = arith.addi %mul3A_996, %get3A_993 : vector<16xi32>
      %swap3A_998 = arith.constant 3 : i32
      %swap3A_999 = arith.index_cast %swap3A_998 : i32 to index
      %swap3A_1000 = arith.constant 16 : index
      %swap3A_1001 = tpu.vector_load %arg9[%swap3A_999, %swap3A_1000] {strides = array<i32>} : memref<4x128xi32, #tpu.memory_space<vmem>>, vector<1x16xi32>,
      %swap3A_1002 = vector.shape_cast %swap3A_1001 : vector<1x16xi32> to vector<16xi32>
      %swap3A_1003 = vector.shape_cast %add3A_997 : vector<16xi32> to vector<1x16xi32>
      tpu.vector_store %arg9[%swap3A_999, %swap3A_1000], %swap3A_1003 {strides = array<i32>} : memref<4x128xi32, #tpu.memory_space<vmem>>, vector<1x16xi32>,
      %get3A_1004 = arith.constant 928 : index
      %get3A_1005 = tpu.vector_load %arg6[%get3A_1004] {strides = array<i32>} : memref<1024xi32, #tpu.memory_space<vmem>>, vector<16xi32>,
      %get3A_1006 = vector.shape_cast %get3A_1005 : vector<16xi32> to vector<16xi32>
      %get3A_1007 = arith.index_cast %scan3A_19 : i32 to index
      %get3A_1008 = arith.constant 928 : index
      %get3A_1009 = tpu.vector_load %arg7[%get3A_1007, %get3A_1008] {strides = array<i32>} : memref<27x1024xi32, #tpu.memory_space<vmem>>, vector<1x16xi32>,
      %get3A_1010 = vector.shape_cast %get3A_1009 : vector<1x16xi32> to vector<16xi32>
      %mul3A_1011 = arith.constant 65536 : i32
      %mul3A_1012 = vector.broadcast %mul3A_1011 : i32 to vector<16xi32>
      %mul3A_1013 = arith.muli %get3A_1006, %mul3A_1012 : vector<16xi32>
      %add3A_1014 = arith.addi %mul3A_1013, %get3A_1010 : vector<16xi32>
      %swap3A_1015 = arith.constant 3 : i32
      %swap3A_1016 = arith.index_cast %swap3A_1015 : i32 to index
      %swap3A_1017 = arith.constant 32 : index
      %swap3A_1018 = tpu.vector_load %arg9[%swap3A_1016, %swap3A_1017] {strides = array<i32>} : memref<4x128xi32, #tpu.memory_space<vmem>>, vector<1x16xi32>,
      %swap3A_1019 = vector.shape_cast %swap3A_1018 : vector<1x16xi32> to vector<16xi32>
      %swap3A_1020 = vector.shape_cast %add3A_1014 : vector<16xi32> to vector<1x16xi32>
      tpu.vector_store %arg9[%swap3A_1016, %swap3A_1017], %swap3A_1020 {strides = array<i32>} : memref<4x128xi32, #tpu.memory_space<vmem>>, vector<1x16xi32>,
      %get3A_1021 = arith.constant 944 : index
      %get3A_1022 = tpu.vector_load %arg6[%get3A_1021] {strides = array<i32>} : memref<1024xi32, #tpu.memory_space<vmem>>, vector<16xi32>,
      %get3A_1023 = vector.shape_cast %get3A_1022 : vector<16xi32> to vector<16xi32>
      %get3A_1024 = arith.index_cast %scan3A_19 : i32 to index
      %get3A_1025 = arith.constant 944 : index
      %get3A_1026 = tpu.vector_load %arg7[%get3A_1024, %get3A_1025] {strides = array<i32>} : memref<27x1024xi32, #tpu.memory_space<vmem>>, vector<1x16xi32>,
      %get3A_1027 = vector.shape_cast %get3A_1026 : vector<1x16xi32> to vector<16xi32>
      %mul3A_1028 = arith.constant 65536 : i32
      %mul3A_1029 = vector.broadcast %mul3A_1028 : i32 to vector<16xi32>
      %mul3A_1030 = arith.muli %get3A_1023, %mul3A_1029 : vector<16xi32>
      %add3A_1031 = arith.addi %mul3A_1030, %get3A_1027 : vector<16xi32>
      %swap3A_1032 = arith.constant 3 : i32
      %swap3A_1033 = arith.index_cast %swap3A_1032 : i32 to index
      %swap3A_1034 = arith.constant 48 : index
      %swap3A_1035 = tpu.vector_load %arg9[%swap3A_1033, %swap3A_1034] {strides = array<i32>} : memref<4x128xi32, #tpu.memory_space<vmem>>, vector<1x16xi32>,
      %swap3A_1036 = vector.shape_cast %swap3A_1035 : vector<1x16xi32> to vector<16xi32>
      %swap3A_1037 = vector.shape_cast %add3A_1031 : vector<16xi32> to vector<1x16xi32>
      tpu.vector_store %arg9[%swap3A_1033, %swap3A_1034], %swap3A_1037 {strides = array<i32>} : memref<4x128xi32, #tpu.memory_space<vmem>>, vector<1x16xi32>,
      %get3A_1038 = arith.constant 960 : index
      %get3A_1039 = tpu.vector_load %arg6[%get3A_1038] {strides = array<i32>} : memref<1024xi32, #tpu.memory_space<vmem>>, vector<16xi32>,
      %get3A_1040 = vector.shape_cast %get3A_1039 : vector<16xi32> to vector<16xi32>
      %get3A_1041 = arith.index_cast %scan3A_19 : i32 to index
      %get3A_1042 = arith.constant 960 : index
      %get3A_1043 = tpu.vector_load %arg7[%get3A_1041, %get3A_1042] {strides = array<i32>} : memref<27x1024xi32, #tpu.memory_space<vmem>>, vector<1x16xi32>,
      %get3A_1044 = vector.shape_cast %get3A_1043 : vector<1x16xi32> to vector<16xi32>
      %mul3A_1045 = arith.constant 65536 : i32
      %mul3A_1046 = vector.broadcast %mul3A_1045 : i32 to vector<16xi32>
      %mul3A_1047 = arith.muli %get3A_1040, %mul3A_1046 : vector<16xi32>
      %add3A_1048 = arith.addi %mul3A_1047, %get3A_1044 : vector<16xi32>
      %swap3A_1049 = arith.constant 3 : i32
      %swap3A_1050 = arith.index_cast %swap3A_1049 : i32 to index
      %swap3A_1051 = arith.constant 64 : index
      %swap3A_1052 = tpu.vector_load %arg9[%swap3A_1050, %swap3A_1051] {strides = array<i32>} : memref<4x128xi32, #tpu.memory_space<vmem>>, vector<1x16xi32>,
      %swap3A_1053 = vector.shape_cast %swap3A_1052 : vector<1x16xi32> to vector<16xi32>
      %swap3A_1054 = vector.shape_cast %add3A_1048 : vector<16xi32> to vector<1x16xi32>
      tpu.vector_store %arg9[%swap3A_1050, %swap3A_1051], %swap3A_1054 {strides = array<i32>} : memref<4x128xi32, #tpu.memory_space<vmem>>, vector<1x16xi32>,
      %get3A_1055 = arith.constant 976 : index
      %get3A_1056 = tpu.vector_load %arg6[%get3A_1055] {strides = array<i32>} : memref<1024xi32, #tpu.memory_space<vmem>>, vector<16xi32>,
      %get3A_1057 = vector.shape_cast %get3A_1056 : vector<16xi32> to vector<16xi32>
      %get3A_1058 = arith.index_cast %scan3A_19 : i32 to index
      %get3A_1059 = arith.constant 976 : index
      %get3A_1060 = tpu.vector_load %arg7[%get3A_1058, %get3A_1059] {strides = array<i32>} : memref<27x1024xi32, #tpu.memory_space<vmem>>, vector<1x16xi32>,
      %get3A_1061 = vector.shape_cast %get3A_1060 : vector<1x16xi32> to vector<16xi32>
      %mul3A_1062 = arith.constant 65536 : i32
      %mul3A_1063 = vector.broadcast %mul3A_1062 : i32 to vector<16xi32>
      %mul3A_1064 = arith.muli %get3A_1057, %mul3A_1063 : vector<16xi32>
      %add3A_1065 = arith.addi %mul3A_1064, %get3A_1061 : vector<16xi32>
      %swap3A_1066 = arith.constant 3 : i32
      %swap3A_1067 = arith.index_cast %swap3A_1066 : i32 to index
      %swap3A_1068 = arith.constant 80 : index
      %swap3A_1069 = tpu.vector_load %arg9[%swap3A_1067, %swap3A_1068] {strides = array<i32>} : memref<4x128xi32, #tpu.memory_space<vmem>>, vector<1x16xi32>,
      %swap3A_1070 = vector.shape_cast %swap3A_1069 : vector<1x16xi32> to vector<16xi32>
      %swap3A_1071 = vector.shape_cast %add3A_1065 : vector<16xi32> to vector<1x16xi32>
      tpu.vector_store %arg9[%swap3A_1067, %swap3A_1068], %swap3A_1071 {strides = array<i32>} : memref<4x128xi32, #tpu.memory_space<vmem>>, vector<1x16xi32>,
      %get3A_1072 = arith.constant 992 : index
      %get3A_1073 = tpu.vector_load %arg6[%get3A_1072] {strides = array<i32>} : memref<1024xi32, #tpu.memory_space<vmem>>, vector<16xi32>,
      %get3A_1074 = vector.shape_cast %get3A_1073 : vector<16xi32> to vector<16xi32>
      %get3A_1075 = arith.index_cast %scan3A_19 : i32 to index
      %get3A_1076 = arith.constant 992 : index
      %get3A_1077 = tpu.vector_load %arg7[%get3A_1075, %get3A_1076] {strides = array<i32>} : memref<27x1024xi32, #tpu.memory_space<vmem>>, vector<1x16xi32>,
      %get3A_1078 = vector.shape_cast %get3A_1077 : vector<1x16xi32> to vector<16xi32>
      %mul3A_1079 = arith.constant 65536 : i32
      %mul3A_1080 = vector.broadcast %mul3A_1079 : i32 to vector<16xi32>
      %mul3A_1081 = arith.muli %get3A_1074, %mul3A_1080 : vector<16xi32>
      %add3A_1082 = arith.addi %mul3A_1081, %get3A_1078 : vector<16xi32>
      %swap3A_1083 = arith.constant 3 : i32
      %swap3A_1084 = arith.index_cast %swap3A_1083 : i32 to index
      %swap3A_1085 = arith.constant 96 : index
      %swap3A_1086 = tpu.vector_load %arg9[%swap3A_1084, %swap3A_1085] {strides = array<i32>} : memref<4x128xi32, #tpu.memory_space<vmem>>, vector<1x16xi32>,
      %swap3A_1087 = vector.shape_cast %swap3A_1086 : vector<1x16xi32> to vector<16xi32>
      %swap3A_1088 = vector.shape_cast %add3A_1082 : vector<16xi32> to vector<1x16xi32>
      tpu.vector_store %arg9[%swap3A_1084, %swap3A_1085], %swap3A_1088 {strides = array<i32>} : memref<4x128xi32, #tpu.memory_space<vmem>>, vector<1x16xi32>,
      %get3A_1089 = arith.constant 1008 : index
      %get3A_1090 = tpu.vector_load %arg6[%get3A_1089] {strides = array<i32>} : memref<1024xi32, #tpu.memory_space<vmem>>, vector<16xi32>,
      %get3A_1091 = vector.shape_cast %get3A_1090 : vector<16xi32> to vector<16xi32>
      %get3A_1092 = arith.index_cast %scan3A_19 : i32 to index
      %get3A_1093 = arith.constant 1008 : index
      %get3A_1094 = tpu.vector_load %arg7[%get3A_1092, %get3A_1093] {strides = array<i32>} : memref<27x1024xi32, #tpu.memory_space<vmem>>, vector<1x16xi32>,
      %get3A_1095 = vector.shape_cast %get3A_1094 : vector<1x16xi32> to vector<16xi32>
      %mul3A_1096 = arith.constant 65536 : i32
      %mul3A_1097 = vector.broadcast %mul3A_1096 : i32 to vector<16xi32>
      %mul3A_1098 = arith.muli %get3A_1091, %mul3A_1097 : vector<16xi32>
      %add3A_1099 = arith.addi %mul3A_1098, %get3A_1095 : vector<16xi32>
      %swap3A_1100 = arith.constant 3 : i32
      %swap3A_1101 = arith.index_cast %swap3A_1100 : i32 to index
      %swap3A_1102 = arith.constant 112 : index
      %swap3A_1103 = tpu.vector_load %arg9[%swap3A_1101, %swap3A_1102] {strides = array<i32>} : memref<4x128xi32, #tpu.memory_space<vmem>>, vector<1x16xi32>,
      %swap3A_1104 = vector.shape_cast %swap3A_1103 : vector<1x16xi32> to vector<16xi32>
      %swap3A_1105 = vector.shape_cast %add3A_1099 : vector<16xi32> to vector<1x16xi32>
      tpu.vector_store %arg9[%swap3A_1101, %swap3A_1102], %swap3A_1105 {strides = array<i32>} : memref<4x128xi32, #tpu.memory_space<vmem>>, vector<1x16xi32>,
      %gt3A = arith.constant 0 : i32
      %gt3A_1106 = arith.cmpi sgt, %scan3A_19, %gt3A : i32
      %convert_element_type3A = arith.extui %gt3A_1106 : i1 to i32
      %cond3A = arith.constant 0 : i32
      %cond3A_1107 = arith.cmpi ne, %convert_element_type3A, %cond3A : i32
      scf.if %cond3A_1107 {
        %dma_wait3A_1290 = arith.constant 0 : i32
        %dma_wait3A_1291 = arith.constant 0 : i32
        %dma_wait3A_1292 = tpu.memref_slice %arg5[%dma_wait3A_1290, %dma_wait3A_1291] : memref<884736x64xf32, #tpu.memory_space<hbm>> -> memref<512x64xf32, #tpu.memory_space<hbm>>
        %dma_wait3A_1293 = arith.constant 0 : i32
        %dma_wait3A_1294 = arith.constant 0 : i32
        %dma_wait3A_1295 = tpu.memref_slice %arg5[%dma_wait3A_1293, %dma_wait3A_1294] : memref<884736x64xf32, #tpu.memory_space<hbm>> -> memref<512x64xf32, #tpu.memory_space<hbm>>
        tpu.wait_dma2 semaphore(%arg14 : memref<!tpu.dma_semaphore, #tpu.memory_space<semaphore_mem>>) src(%arg10 : memref<512x64xf32, #tpu.memory_space<vmem>>) dst(%dma_wait3A_1295 : memref<512x64xf32, #tpu.memory_space<hbm>>)
      } else {
      }
      %dma_start3A = arith.constant 0 : i32
      %dma_start3A_1108 = arith.constant 0 : i32
      %dma_start3A_1109 = arith.constant 0 : i32
      %dma_start3A_1110 = tpu.memref_slice %arg10[%dma_start3A_1108, %dma_start3A_1109] : memref<512x64xf32, #tpu.memory_space<vmem>> -> memref<128x64xf32, #tpu.memory_space<vmem>>
      %dma_start3A_1111 = arith.constant 0 : i32
      %dma_start3A_1112 = tpu.memref_slice %arg8[%dma_start3A, %dma_start3A_1111] : memref<4x128xi32, #tpu.memory_space<vmem>> -> memref<1x128xi32, #tpu.memory_space<vmem>>
      %dma_start3A_1113 = tpu.memref_squeeze %dma_start3A_1112 : memref<1x128xi32, #tpu.memory_space<vmem>> -> memref<128xi32, #tpu.memory_space<vmem>>
      %dma_start3A_1114 = arith.constant 0 : i32
      %dma_start3A_1115 = arith.constant 0 : i32
      %dma_start3A_1116 = tpu.memref_slice %arg2[%dma_start3A_1114, %dma_start3A_1115] : memref<524288x64xf32, #tpu.memory_space<hbm>> -> memref<524288x64xf32, #tpu.memory_space<hbm>>
      tpu.enqueue_indirect_dma source(%dma_start3A_1116 : memref<524288x64xf32, #tpu.memory_space<hbm>>) target(%dma_start3A_1110 : memref<128x64xf32, #tpu.memory_space<vmem>>) offsets(%dma_start3A_1113 : memref<128xi32, #tpu.memory_space<vmem>>) semaphore(%arg12 : memref<!tpu.dma_semaphore, #tpu.memory_space<semaphore_mem>>)
      %dma_start3A_1117 = arith.constant 1 : i32
      %dma_start3A_1118 = arith.constant 128 : i32
      %dma_start3A_1119 = arith.constant 0 : i32
      %dma_start3A_1120 = tpu.memref_slice %arg10[%dma_start3A_1118, %dma_start3A_1119] : memref<512x64xf32, #tpu.memory_space<vmem>> -> memref<128x64xf32, #tpu.memory_space<vmem>>
      %dma_start3A_1121 = arith.constant 0 : i32
      %dma_start3A_1122 = tpu.memref_slice %arg8[%dma_start3A_1117, %dma_start3A_1121] : memref<4x128xi32, #tpu.memory_space<vmem>> -> memref<1x128xi32, #tpu.memory_space<vmem>>
      %dma_start3A_1123 = tpu.memref_squeeze %dma_start3A_1122 : memref<1x128xi32, #tpu.memory_space<vmem>> -> memref<128xi32, #tpu.memory_space<vmem>>
      %dma_start3A_1124 = arith.constant 0 : i32
      %dma_start3A_1125 = arith.constant 0 : i32
      %dma_start3A_1126 = tpu.memref_slice %arg2[%dma_start3A_1124, %dma_start3A_1125] : memref<524288x64xf32, #tpu.memory_space<hbm>> -> memref<524288x64xf32, #tpu.memory_space<hbm>>
      tpu.enqueue_indirect_dma source(%dma_start3A_1126 : memref<524288x64xf32, #tpu.memory_space<hbm>>) target(%dma_start3A_1120 : memref<128x64xf32, #tpu.memory_space<vmem>>) offsets(%dma_start3A_1123 : memref<128xi32, #tpu.memory_space<vmem>>) semaphore(%arg12 : memref<!tpu.dma_semaphore, #tpu.memory_space<semaphore_mem>>)
      %dma_start3A_1127 = arith.constant 2 : i32
      %dma_start3A_1128 = arith.constant 256 : i32
      %dma_start3A_1129 = arith.constant 0 : i32
      %dma_start3A_1130 = tpu.memref_slice %arg10[%dma_start3A_1128, %dma_start3A_1129] : memref<512x64xf32, #tpu.memory_space<vmem>> -> memref<128x64xf32, #tpu.memory_space<vmem>>
      %dma_start3A_1131 = arith.constant 0 : i32
      %dma_start3A_1132 = tpu.memref_slice %arg8[%dma_start3A_1127, %dma_start3A_1131] : memref<4x128xi32, #tpu.memory_space<vmem>> -> memref<1x128xi32, #tpu.memory_space<vmem>>
      %dma_start3A_1133 = tpu.memref_squeeze %dma_start3A_1132 : memref<1x128xi32, #tpu.memory_space<vmem>> -> memref<128xi32, #tpu.memory_space<vmem>>
      %dma_start3A_1134 = arith.constant 0 : i32
      %dma_start3A_1135 = arith.constant 0 : i32
      %dma_start3A_1136 = tpu.memref_slice %arg2[%dma_start3A_1134, %dma_start3A_1135] : memref<524288x64xf32, #tpu.memory_space<hbm>> -> memref<524288x64xf32, #tpu.memory_space<hbm>>
      tpu.enqueue_indirect_dma source(%dma_start3A_1136 : memref<524288x64xf32, #tpu.memory_space<hbm>>) target(%dma_start3A_1130 : memref<128x64xf32, #tpu.memory_space<vmem>>) offsets(%dma_start3A_1133 : memref<128xi32, #tpu.memory_space<vmem>>) semaphore(%arg12 : memref<!tpu.dma_semaphore, #tpu.memory_space<semaphore_mem>>)
      %dma_start3A_1137 = arith.constant 3 : i32
      %dma_start3A_1138 = arith.constant 384 : i32
      %dma_start3A_1139 = arith.constant 0 : i32
      %dma_start3A_1140 = tpu.memref_slice %arg10[%dma_start3A_1138, %dma_start3A_1139] : memref<512x64xf32, #tpu.memory_space<vmem>> -> memref<128x64xf32, #tpu.memory_space<vmem>>
      %dma_start3A_1141 = arith.constant 0 : i32
      %dma_start3A_1142 = tpu.memref_slice %arg8[%dma_start3A_1137, %dma_start3A_1141] : memref<4x128xi32, #tpu.memory_space<vmem>> -> memref<1x128xi32, #tpu.memory_space<vmem>>
      %dma_start3A_1143 = tpu.memref_squeeze %dma_start3A_1142 : memref<1x128xi32, #tpu.memory_space<vmem>> -> memref<128xi32, #tpu.memory_space<vmem>>
      %dma_start3A_1144 = arith.constant 0 : i32
      %dma_start3A_1145 = arith.constant 0 : i32
      %dma_start3A_1146 = tpu.memref_slice %arg2[%dma_start3A_1144, %dma_start3A_1145] : memref<524288x64xf32, #tpu.memory_space<hbm>> -> memref<524288x64xf32, #tpu.memory_space<hbm>>
      tpu.enqueue_indirect_dma source(%dma_start3A_1146 : memref<524288x64xf32, #tpu.memory_space<hbm>>) target(%dma_start3A_1140 : memref<128x64xf32, #tpu.memory_space<vmem>>) offsets(%dma_start3A_1143 : memref<128xi32, #tpu.memory_space<vmem>>) semaphore(%arg12 : memref<!tpu.dma_semaphore, #tpu.memory_space<semaphore_mem>>)
      %gt3A_1147 = arith.constant 0 : i32
      %gt3A_1148 = arith.cmpi sgt, %scan3A_19, %gt3A_1147 : i32
      %convert_element_type3A_1149 = arith.extui %gt3A_1148 : i1 to i32
      %cond3A_1150 = arith.constant 0 : i32
      %cond3A_1151 = arith.cmpi ne, %convert_element_type3A_1149, %cond3A_1150 : i32
      scf.if %cond3A_1151 {
        %dma_wait3A_1290 = arith.constant 0 : i32
        %dma_wait3A_1291 = arith.constant 0 : i32
        %dma_wait3A_1292 = tpu.memref_slice %arg5[%dma_wait3A_1290, %dma_wait3A_1291] : memref<884736x64xf32, #tpu.memory_space<hbm>> -> memref<512x64xf32, #tpu.memory_space<hbm>>
        %dma_wait3A_1293 = arith.constant 0 : i32
        %dma_wait3A_1294 = arith.constant 0 : i32
        %dma_wait3A_1295 = tpu.memref_slice %arg5[%dma_wait3A_1293, %dma_wait3A_1294] : memref<884736x64xf32, #tpu.memory_space<hbm>> -> memref<512x64xf32, #tpu.memory_space<hbm>>
        tpu.wait_dma2 semaphore(%arg15 : memref<!tpu.dma_semaphore, #tpu.memory_space<semaphore_mem>>) src(%arg11 : memref<512x64xf32, #tpu.memory_space<vmem>>) dst(%dma_wait3A_1295 : memref<512x64xf32, #tpu.memory_space<hbm>>)
      } else {
      }
      %dma_start3A_1152 = arith.constant 0 : i32
      %dma_start3A_1153 = arith.constant 0 : i32
      %dma_start3A_1154 = arith.constant 0 : i32
      %dma_start3A_1155 = tpu.memref_slice %arg11[%dma_start3A_1153, %dma_start3A_1154] : memref<512x64xf32, #tpu.memory_space<vmem>> -> memref<128x64xf32, #tpu.memory_space<vmem>>
      %dma_start3A_1156 = arith.constant 0 : i32
      %dma_start3A_1157 = tpu.memref_slice %arg9[%dma_start3A_1152, %dma_start3A_1156] : memref<4x128xi32, #tpu.memory_space<vmem>> -> memref<1x128xi32, #tpu.memory_space<vmem>>
      %dma_start3A_1158 = tpu.memref_squeeze %dma_start3A_1157 : memref<1x128xi32, #tpu.memory_space<vmem>> -> memref<128xi32, #tpu.memory_space<vmem>>
      %dma_start3A_1159 = arith.constant 0 : i32
      %dma_start3A_1160 = arith.constant 0 : i32
      %dma_start3A_1161 = tpu.memref_slice %arg2[%dma_start3A_1159, %dma_start3A_1160] : memref<524288x64xf32, #tpu.memory_space<hbm>> -> memref<524288x64xf32, #tpu.memory_space<hbm>>
      tpu.enqueue_indirect_dma source(%dma_start3A_1161 : memref<524288x64xf32, #tpu.memory_space<hbm>>) target(%dma_start3A_1155 : memref<128x64xf32, #tpu.memory_space<vmem>>) offsets(%dma_start3A_1158 : memref<128xi32, #tpu.memory_space<vmem>>) semaphore(%arg13 : memref<!tpu.dma_semaphore, #tpu.memory_space<semaphore_mem>>)
      %dma_start3A_1162 = arith.constant 1 : i32
      %dma_start3A_1163 = arith.constant 128 : i32
      %dma_start3A_1164 = arith.constant 0 : i32
      %dma_start3A_1165 = tpu.memref_slice %arg11[%dma_start3A_1163, %dma_start3A_1164] : memref<512x64xf32, #tpu.memory_space<vmem>> -> memref<128x64xf32, #tpu.memory_space<vmem>>
      %dma_start3A_1166 = arith.constant 0 : i32
      %dma_start3A_1167 = tpu.memref_slice %arg9[%dma_start3A_1162, %dma_start3A_1166] : memref<4x128xi32, #tpu.memory_space<vmem>> -> memref<1x128xi32, #tpu.memory_space<vmem>>
      %dma_start3A_1168 = tpu.memref_squeeze %dma_start3A_1167 : memref<1x128xi32, #tpu.memory_space<vmem>> -> memref<128xi32, #tpu.memory_space<vmem>>
      %dma_start3A_1169 = arith.constant 0 : i32
      %dma_start3A_1170 = arith.constant 0 : i32
      %dma_start3A_1171 = tpu.memref_slice %arg2[%dma_start3A_1169, %dma_start3A_1170] : memref<524288x64xf32, #tpu.memory_space<hbm>> -> memref<524288x64xf32, #tpu.memory_space<hbm>>
      tpu.enqueue_indirect_dma source(%dma_start3A_1171 : memref<524288x64xf32, #tpu.memory_space<hbm>>) target(%dma_start3A_1165 : memref<128x64xf32, #tpu.memory_space<vmem>>) offsets(%dma_start3A_1168 : memref<128xi32, #tpu.memory_space<vmem>>) semaphore(%arg13 : memref<!tpu.dma_semaphore, #tpu.memory_space<semaphore_mem>>)
      %dma_start3A_1172 = arith.constant 2 : i32
      %dma_start3A_1173 = arith.constant 256 : i32
      %dma_start3A_1174 = arith.constant 0 : i32
      %dma_start3A_1175 = tpu.memref_slice %arg11[%dma_start3A_1173, %dma_start3A_1174] : memref<512x64xf32, #tpu.memory_space<vmem>> -> memref<128x64xf32, #tpu.memory_space<vmem>>
      %dma_start3A_1176 = arith.constant 0 : i32
      %dma_start3A_1177 = tpu.memref_slice %arg9[%dma_start3A_1172, %dma_start3A_1176] : memref<4x128xi32, #tpu.memory_space<vmem>> -> memref<1x128xi32, #tpu.memory_space<vmem>>
      %dma_start3A_1178 = tpu.memref_squeeze %dma_start3A_1177 : memref<1x128xi32, #tpu.memory_space<vmem>> -> memref<128xi32, #tpu.memory_space<vmem>>
      %dma_start3A_1179 = arith.constant 0 : i32
      %dma_start3A_1180 = arith.constant 0 : i32
      %dma_start3A_1181 = tpu.memref_slice %arg2[%dma_start3A_1179, %dma_start3A_1180] : memref<524288x64xf32, #tpu.memory_space<hbm>> -> memref<524288x64xf32, #tpu.memory_space<hbm>>
      tpu.enqueue_indirect_dma source(%dma_start3A_1181 : memref<524288x64xf32, #tpu.memory_space<hbm>>) target(%dma_start3A_1175 : memref<128x64xf32, #tpu.memory_space<vmem>>) offsets(%dma_start3A_1178 : memref<128xi32, #tpu.memory_space<vmem>>) semaphore(%arg13 : memref<!tpu.dma_semaphore, #tpu.memory_space<semaphore_mem>>)
      %dma_start3A_1182 = arith.constant 3 : i32
      %dma_start3A_1183 = arith.constant 384 : i32
      %dma_start3A_1184 = arith.constant 0 : i32
      %dma_start3A_1185 = tpu.memref_slice %arg11[%dma_start3A_1183, %dma_start3A_1184] : memref<512x64xf32, #tpu.memory_space<vmem>> -> memref<128x64xf32, #tpu.memory_space<vmem>>
      %dma_start3A_1186 = arith.constant 0 : i32
      %dma_start3A_1187 = tpu.memref_slice %arg9[%dma_start3A_1182, %dma_start3A_1186] : memref<4x128xi32, #tpu.memory_space<vmem>> -> memref<1x128xi32, #tpu.memory_space<vmem>>
      %dma_start3A_1188 = tpu.memref_squeeze %dma_start3A_1187 : memref<1x128xi32, #tpu.memory_space<vmem>> -> memref<128xi32, #tpu.memory_space<vmem>>
      %dma_start3A_1189 = arith.constant 0 : i32
      %dma_start3A_1190 = arith.constant 0 : i32
      %dma_start3A_1191 = tpu.memref_slice %arg2[%dma_start3A_1189, %dma_start3A_1190] : memref<524288x64xf32, #tpu.memory_space<hbm>> -> memref<524288x64xf32, #tpu.memory_space<hbm>>
      tpu.enqueue_indirect_dma source(%dma_start3A_1191 : memref<524288x64xf32, #tpu.memory_space<hbm>>) target(%dma_start3A_1185 : memref<128x64xf32, #tpu.memory_space<vmem>>) offsets(%dma_start3A_1188 : memref<128xi32, #tpu.memory_space<vmem>>) semaphore(%arg13 : memref<!tpu.dma_semaphore, #tpu.memory_space<semaphore_mem>>)
      %dma_wait3A_1192 = arith.constant 0 : i32
      %dma_wait3A_1193 = arith.constant 0 : i32
      %dma_wait3A_1194 = arith.constant 0 : i32
      %dma_wait3A_1195 = tpu.memref_slice %arg10[%dma_wait3A_1193, %dma_wait3A_1194] : memref<512x64xf32, #tpu.memory_space<vmem>> -> memref<128x64xf32, #tpu.memory_space<vmem>>
      %dma_wait3A_1196 = arith.constant 0 : i32
      %dma_wait3A_1197 = tpu.memref_slice %arg8[%dma_wait3A_1192, %dma_wait3A_1196] : memref<4x128xi32, #tpu.memory_space<vmem>> -> memref<1x128xi32, #tpu.memory_space<vmem>>
      %dma_wait3A_1198 = tpu.memref_squeeze %dma_wait3A_1197 : memref<1x128xi32, #tpu.memory_space<vmem>> -> memref<128xi32, #tpu.memory_space<vmem>>
      %dma_wait3A_1199 = arith.constant 0 : i32
      %dma_wait3A_1200 = arith.constant 0 : i32
      %dma_wait3A_1201 = tpu.memref_slice %arg2[%dma_wait3A_1199, %dma_wait3A_1200] : memref<524288x64xf32, #tpu.memory_space<hbm>> -> memref<524288x64xf32, #tpu.memory_space<hbm>>
      tpu.wait_indirect_dma semaphore(%arg12 : memref<!tpu.dma_semaphore, #tpu.memory_space<semaphore_mem>>) src(%dma_wait3A_1201 : memref<524288x64xf32, #tpu.memory_space<hbm>>) dst(%dma_wait3A_1195 : memref<128x64xf32, #tpu.memory_space<vmem>>)
      %dma_wait3A_1202 = arith.constant 1 : i32
      %dma_wait3A_1203 = arith.constant 128 : i32
      %dma_wait3A_1204 = arith.constant 0 : i32
      %dma_wait3A_1205 = tpu.memref_slice %arg10[%dma_wait3A_1203, %dma_wait3A_1204] : memref<512x64xf32, #tpu.memory_space<vmem>> -> memref<128x64xf32, #tpu.memory_space<vmem>>
      %dma_wait3A_1206 = arith.constant 0 : i32
      %dma_wait3A_1207 = tpu.memref_slice %arg8[%dma_wait3A_1202, %dma_wait3A_1206] : memref<4x128xi32, #tpu.memory_space<vmem>> -> memref<1x128xi32, #tpu.memory_space<vmem>>
      %dma_wait3A_1208 = tpu.memref_squeeze %dma_wait3A_1207 : memref<1x128xi32, #tpu.memory_space<vmem>> -> memref<128xi32, #tpu.memory_space<vmem>>
      %dma_wait3A_1209 = arith.constant 0 : i32
      %dma_wait3A_1210 = arith.constant 0 : i32
      %dma_wait3A_1211 = tpu.memref_slice %arg2[%dma_wait3A_1209, %dma_wait3A_1210] : memref<524288x64xf32, #tpu.memory_space<hbm>> -> memref<524288x64xf32, #tpu.memory_space<hbm>>
      tpu.wait_indirect_dma semaphore(%arg12 : memref<!tpu.dma_semaphore, #tpu.memory_space<semaphore_mem>>) src(%dma_wait3A_1211 : memref<524288x64xf32, #tpu.memory_space<hbm>>) dst(%dma_wait3A_1205 : memref<128x64xf32, #tpu.memory_space<vmem>>)
      %dma_wait3A_1212 = arith.constant 2 : i32
      %dma_wait3A_1213 = arith.constant 256 : i32
      %dma_wait3A_1214 = arith.constant 0 : i32
      %dma_wait3A_1215 = tpu.memref_slice %arg10[%dma_wait3A_1213, %dma_wait3A_1214] : memref<512x64xf32, #tpu.memory_space<vmem>> -> memref<128x64xf32, #tpu.memory_space<vmem>>
      %dma_wait3A_1216 = arith.constant 0 : i32
      %dma_wait3A_1217 = tpu.memref_slice %arg8[%dma_wait3A_1212, %dma_wait3A_1216] : memref<4x128xi32, #tpu.memory_space<vmem>> -> memref<1x128xi32, #tpu.memory_space<vmem>>
      %dma_wait3A_1218 = tpu.memref_squeeze %dma_wait3A_1217 : memref<1x128xi32, #tpu.memory_space<vmem>> -> memref<128xi32, #tpu.memory_space<vmem>>
      %dma_wait3A_1219 = arith.constant 0 : i32
      %dma_wait3A_1220 = arith.constant 0 : i32
      %dma_wait3A_1221 = tpu.memref_slice %arg2[%dma_wait3A_1219, %dma_wait3A_1220] : memref<524288x64xf32, #tpu.memory_space<hbm>> -> memref<524288x64xf32, #tpu.memory_space<hbm>>
      tpu.wait_indirect_dma semaphore(%arg12 : memref<!tpu.dma_semaphore, #tpu.memory_space<semaphore_mem>>) src(%dma_wait3A_1221 : memref<524288x64xf32, #tpu.memory_space<hbm>>) dst(%dma_wait3A_1215 : memref<128x64xf32, #tpu.memory_space<vmem>>)
      %dma_wait3A_1222 = arith.constant 3 : i32
      %dma_wait3A_1223 = arith.constant 384 : i32
      %dma_wait3A_1224 = arith.constant 0 : i32
      %dma_wait3A_1225 = tpu.memref_slice %arg10[%dma_wait3A_1223, %dma_wait3A_1224] : memref<512x64xf32, #tpu.memory_space<vmem>> -> memref<128x64xf32, #tpu.memory_space<vmem>>
      %dma_wait3A_1226 = arith.constant 0 : i32
      %dma_wait3A_1227 = tpu.memref_slice %arg8[%dma_wait3A_1222, %dma_wait3A_1226] : memref<4x128xi32, #tpu.memory_space<vmem>> -> memref<1x128xi32, #tpu.memory_space<vmem>>
      %dma_wait3A_1228 = tpu.memref_squeeze %dma_wait3A_1227 : memref<1x128xi32, #tpu.memory_space<vmem>> -> memref<128xi32, #tpu.memory_space<vmem>>
      %dma_wait3A_1229 = arith.constant 0 : i32
      %dma_wait3A_1230 = arith.constant 0 : i32
      %dma_wait3A_1231 = tpu.memref_slice %arg2[%dma_wait3A_1229, %dma_wait3A_1230] : memref<524288x64xf32, #tpu.memory_space<hbm>> -> memref<524288x64xf32, #tpu.memory_space<hbm>>
      tpu.wait_indirect_dma semaphore(%arg12 : memref<!tpu.dma_semaphore, #tpu.memory_space<semaphore_mem>>) src(%dma_wait3A_1231 : memref<524288x64xf32, #tpu.memory_space<hbm>>) dst(%dma_wait3A_1225 : memref<128x64xf32, #tpu.memory_space<vmem>>)
      %mul3A_1232 = arith.constant 32768 : i32
      %mul3A_1233 = arith.muli %scan3A_19, %mul3A_1232 : i32
      %add3A_1234 = arith.addi %mul3A_1233, %mul3A_2 : i32
      %add3A_1235 = arith.constant 0 : i32
      %add3A_1236 = arith.addi %add3A_1234, %add3A_1235 : i32
      %dma_start3A_1237 = arith.constant 0 : i32
      %dma_start3A_1238 = tpu.memref_slice %arg5[%add3A_1236, %dma_start3A_1237] : memref<884736x64xf32, #tpu.memory_space<hbm>> -> memref<512x64xf32, #tpu.memory_space<hbm>>
      %dma_start3A_1239 = arith.constant 0 : i32
      %dma_start3A_1240 = tpu.memref_slice %arg5[%add3A_1236, %dma_start3A_1239] : memref<884736x64xf32, #tpu.memory_space<hbm>> -> memref<512x64xf32, #tpu.memory_space<hbm>>
      tpu.enqueue_dma source(%arg10 : memref<512x64xf32, #tpu.memory_space<vmem>>) target(%dma_start3A_1240 : memref<512x64xf32, #tpu.memory_space<hbm>>) target_semaphore(%arg14 : memref<!tpu.dma_semaphore, #tpu.memory_space<semaphore_mem>>)
      %dma_wait3A_1241 = arith.constant 0 : i32
      %dma_wait3A_1242 = arith.constant 0 : i32
      %dma_wait3A_1243 = arith.constant 0 : i32
      %dma_wait3A_1244 = tpu.memref_slice %arg11[%dma_wait3A_1242, %dma_wait3A_1243] : memref<512x64xf32, #tpu.memory_space<vmem>> -> memref<128x64xf32, #tpu.memory_space<vmem>>
      %dma_wait3A_1245 = arith.constant 0 : i32
      %dma_wait3A_1246 = tpu.memref_slice %arg9[%dma_wait3A_1241, %dma_wait3A_1245] : memref<4x128xi32, #tpu.memory_space<vmem>> -> memref<1x128xi32, #tpu.memory_space<vmem>>
      %dma_wait3A_1247 = tpu.memref_squeeze %dma_wait3A_1246 : memref<1x128xi32, #tpu.memory_space<vmem>> -> memref<128xi32, #tpu.memory_space<vmem>>
      %dma_wait3A_1248 = arith.constant 0 : i32
      %dma_wait3A_1249 = arith.constant 0 : i32
      %dma_wait3A_1250 = tpu.memref_slice %arg2[%dma_wait3A_1248, %dma_wait3A_1249] : memref<524288x64xf32, #tpu.memory_space<hbm>> -> memref<524288x64xf32, #tpu.memory_space<hbm>>
      tpu.wait_indirect_dma semaphore(%arg13 : memref<!tpu.dma_semaphore, #tpu.memory_space<semaphore_mem>>) src(%dma_wait3A_1250 : memref<524288x64xf32, #tpu.memory_space<hbm>>) dst(%dma_wait3A_1244 : memref<128x64xf32, #tpu.memory_space<vmem>>)
      %dma_wait3A_1251 = arith.constant 1 : i32
      %dma_wait3A_1252 = arith.constant 128 : i32
      %dma_wait3A_1253 = arith.constant 0 : i32
      %dma_wait3A_1254 = tpu.memref_slice %arg11[%dma_wait3A_1252, %dma_wait3A_1253] : memref<512x64xf32, #tpu.memory_space<vmem>> -> memref<128x64xf32, #tpu.memory_space<vmem>>
      %dma_wait3A_1255 = arith.constant 0 : i32
      %dma_wait3A_1256 = tpu.memref_slice %arg9[%dma_wait3A_1251, %dma_wait3A_1255] : memref<4x128xi32, #tpu.memory_space<vmem>> -> memref<1x128xi32, #tpu.memory_space<vmem>>
      %dma_wait3A_1257 = tpu.memref_squeeze %dma_wait3A_1256 : memref<1x128xi32, #tpu.memory_space<vmem>> -> memref<128xi32, #tpu.memory_space<vmem>>
      %dma_wait3A_1258 = arith.constant 0 : i32
      %dma_wait3A_1259 = arith.constant 0 : i32
      %dma_wait3A_1260 = tpu.memref_slice %arg2[%dma_wait3A_1258, %dma_wait3A_1259] : memref<524288x64xf32, #tpu.memory_space<hbm>> -> memref<524288x64xf32, #tpu.memory_space<hbm>>
      tpu.wait_indirect_dma semaphore(%arg13 : memref<!tpu.dma_semaphore, #tpu.memory_space<semaphore_mem>>) src(%dma_wait3A_1260 : memref<524288x64xf32, #tpu.memory_space<hbm>>) dst(%dma_wait3A_1254 : memref<128x64xf32, #tpu.memory_space<vmem>>)
      %dma_wait3A_1261 = arith.constant 2 : i32
      %dma_wait3A_1262 = arith.constant 256 : i32
      %dma_wait3A_1263 = arith.constant 0 : i32
      %dma_wait3A_1264 = tpu.memref_slice %arg11[%dma_wait3A_1262, %dma_wait3A_1263] : memref<512x64xf32, #tpu.memory_space<vmem>> -> memref<128x64xf32, #tpu.memory_space<vmem>>
      %dma_wait3A_1265 = arith.constant 0 : i32
      %dma_wait3A_1266 = tpu.memref_slice %arg9[%dma_wait3A_1261, %dma_wait3A_1265] : memref<4x128xi32, #tpu.memory_space<vmem>> -> memref<1x128xi32, #tpu.memory_space<vmem>>
      %dma_wait3A_1267 = tpu.memref_squeeze %dma_wait3A_1266 : memref<1x128xi32, #tpu.memory_space<vmem>> -> memref<128xi32, #tpu.memory_space<vmem>>
      %dma_wait3A_1268 = arith.constant 0 : i32
      %dma_wait3A_1269 = arith.constant 0 : i32
      %dma_wait3A_1270 = tpu.memref_slice %arg2[%dma_wait3A_1268, %dma_wait3A_1269] : memref<524288x64xf32, #tpu.memory_space<hbm>> -> memref<524288x64xf32, #tpu.memory_space<hbm>>
      tpu.wait_indirect_dma semaphore(%arg13 : memref<!tpu.dma_semaphore, #tpu.memory_space<semaphore_mem>>) src(%dma_wait3A_1270 : memref<524288x64xf32, #tpu.memory_space<hbm>>) dst(%dma_wait3A_1264 : memref<128x64xf32, #tpu.memory_space<vmem>>)
      %dma_wait3A_1271 = arith.constant 3 : i32
      %dma_wait3A_1272 = arith.constant 384 : i32
      %dma_wait3A_1273 = arith.constant 0 : i32
      %dma_wait3A_1274 = tpu.memref_slice %arg11[%dma_wait3A_1272, %dma_wait3A_1273] : memref<512x64xf32, #tpu.memory_space<vmem>> -> memref<128x64xf32, #tpu.memory_space<vmem>>
      %dma_wait3A_1275 = arith.constant 0 : i32
      %dma_wait3A_1276 = tpu.memref_slice %arg9[%dma_wait3A_1271, %dma_wait3A_1275] : memref<4x128xi32, #tpu.memory_space<vmem>> -> memref<1x128xi32, #tpu.memory_space<vmem>>
      %dma_wait3A_1277 = tpu.memref_squeeze %dma_wait3A_1276 : memref<1x128xi32, #tpu.memory_space<vmem>> -> memref<128xi32, #tpu.memory_space<vmem>>
      %dma_wait3A_1278 = arith.constant 0 : i32
      %dma_wait3A_1279 = arith.constant 0 : i32
      %dma_wait3A_1280 = tpu.memref_slice %arg2[%dma_wait3A_1278, %dma_wait3A_1279] : memref<524288x64xf32, #tpu.memory_space<hbm>> -> memref<524288x64xf32, #tpu.memory_space<hbm>>
      tpu.wait_indirect_dma semaphore(%arg13 : memref<!tpu.dma_semaphore, #tpu.memory_space<semaphore_mem>>) src(%dma_wait3A_1280 : memref<524288x64xf32, #tpu.memory_space<hbm>>) dst(%dma_wait3A_1274 : memref<128x64xf32, #tpu.memory_space<vmem>>)
      %mul3A_1281 = arith.constant 32768 : i32
      %mul3A_1282 = arith.muli %scan3A_19, %mul3A_1281 : i32
      %add3A_1283 = arith.addi %mul3A_1282, %mul3A_2 : i32
      %add3A_1284 = arith.constant 512 : i32
      %add3A_1285 = arith.addi %add3A_1283, %add3A_1284 : i32
      %dma_start3A_1286 = arith.constant 0 : i32
      %dma_start3A_1287 = tpu.memref_slice %arg5[%add3A_1285, %dma_start3A_1286] : memref<884736x64xf32, #tpu.memory_space<hbm>> -> memref<512x64xf32, #tpu.memory_space<hbm>>
      %dma_start3A_1288 = arith.constant 0 : i32
      %dma_start3A_1289 = tpu.memref_slice %arg5[%add3A_1285, %dma_start3A_1288] : memref<884736x64xf32, #tpu.memory_space<hbm>> -> memref<512x64xf32, #tpu.memory_space<hbm>>
      tpu.enqueue_dma source(%arg11 : memref<512x64xf32, #tpu.memory_space<vmem>>) target(%dma_start3A_1289 : memref<512x64xf32, #tpu.memory_space<hbm>>) target_semaphore(%arg15 : memref<!tpu.dma_semaphore, #tpu.memory_space<semaphore_mem>>)
    }
    %scan3A_7 = arith.constant 27 : i32
    %dma_wait3A = arith.constant 0 : i32
    %dma_wait3A_8 = arith.constant 0 : i32
    %dma_wait3A_9 = tpu.memref_slice %arg5[%dma_wait3A, %dma_wait3A_8] : memref<884736x64xf32, #tpu.memory_space<hbm>> -> memref<512x64xf32, #tpu.memory_space<hbm>>
    %dma_wait3A_10 = arith.constant 0 : i32
    %dma_wait3A_11 = arith.constant 0 : i32
    %dma_wait3A_12 = tpu.memref_slice %arg5[%dma_wait3A_10, %dma_wait3A_11] : memref<884736x64xf32, #tpu.memory_space<hbm>> -> memref<512x64xf32, #tpu.memory_space<hbm>>
    tpu.wait_dma2 semaphore(%arg14 : memref<!tpu.dma_semaphore, #tpu.memory_space<semaphore_mem>>) src(%arg10 : memref<512x64xf32, #tpu.memory_space<vmem>>) dst(%dma_wait3A_12 : memref<512x64xf32, #tpu.memory_space<hbm>>)
    %dma_wait3A_13 = arith.constant 0 : i32
    %dma_wait3A_14 = arith.constant 0 : i32
    %dma_wait3A_15 = tpu.memref_slice %arg5[%dma_wait3A_13, %dma_wait3A_14] : memref<884736x64xf32, #tpu.memory_space<hbm>> -> memref<512x64xf32, #tpu.memory_space<hbm>>
    %dma_wait3A_16 = arith.constant 0 : i32
    %dma_wait3A_17 = arith.constant 0 : i32
    %dma_wait3A_18 = tpu.memref_slice %arg5[%dma_wait3A_16, %dma_wait3A_17] : memref<884736x64xf32, #tpu.memory_space<hbm>> -> memref<512x64xf32, #tpu.memory_space<hbm>>
    tpu.wait_dma2 semaphore(%arg15 : memref<!tpu.dma_semaphore, #tpu.memory_space<semaphore_mem>>) src(%arg11 : memref<512x64xf32, #tpu.memory_space<vmem>>) dst(%dma_wait3A_18 : memref<512x64xf32, #tpu.memory_space<hbm>>)
    return
  }
}

</mosaic_0001>

<sc_bundles>
// kernel: kernel.3.cloned.1.call-start
scs
__scs_entry_jumppad:
0x0: {  	(pc) =	sbr.rel $0x88, $3  }
0x1: {  	(tag) =	ssettag $0x0;
	lr =	simm.s32 $0x1  }
0x2: {  	[smem:$0x3F9E] =	sst lr;
	_ =	strace $0xD0000000  }
0x3: {  	_ = 	snop  }
0x4: {  	_ = 	snop  }
0x5: {  	_ = 	snop  }
0x6: {  	_ = 	snop  }
0x7: {  	_ = 	snop  }
__scs_overlays_trampoline_lowered:
0x8: {  	[smem:$0x3FAD] =	sst s0  }
0x9: {  	[smem:$0x3FAE] =	sst s1  }
0xa: {  	[smem:$0x3FAF] =	sst s2  }
0xb: {  	[smem:$0x3FB0] =	sst s3  }
0xc: {  	[smem:$0x3FB1] =	sst s4  }
0xd: {  	[smem:$0x3FB2] =	sst s5  }
0xe: {  	[smem:$0x3FB3] =	sst s6  }
0xf: {  	[smem:$0x3FB4] =	sst s7  }
0x10: {  	[smem:$0x3FB5] =	sst s8  }
0x11: {  	[smem:$0x3FB6] =	sst s9;
	s0 =	simm.s32 @!p0 $0x0  }
0x12: {  	s1 =	sld [smem:$0x3F9C];
	s0 =	simm.s32 @p0 $0x1  }
0x13: {  	[smem:$0x3FB7] =	sst s0;
	s0 =	simm.s32 @!p1 $0x0  }
0x14: {  	s2 =	sld [smem:$0x3F9B];
	s0 =	simm.s32 @p1 $0x1  }
0x15: {  	[smem:$0x3FB8] =	sst s0;
	s0 =	simm.s32 @!p2 $0x0  }
0x16: {  	s3 =	sld [smem:$0x3FDB];
	s0 =	simm.s32 @p2 $0x1  }
0x17: {  	s4 =	simm.s32 $0x1BF5;
	[smem:$0x3FBA] =	sst s0  }
0x18: {  	s0 =	sld [smem:$0x3F9D];
	_ =	swait.ge [sflag:s4], $0x0  }
0x19: {  	s7 =	sld [smem:$0x3F9E]  }
0x1a: {  	s8 =	sadd.s32 $0xFFFFE003, lr  }
0x1b: {  	s9 =	sadd.s32 $0xFFFFFEF7, lr;
	s5 =	simm.s32 $0xFFFFFFFF;
	p2 =	slt.u32 s8, $0xFFFFF086  }
0x1c: {  	p1 =	slt.u32 s9, $0xF7A;
	s5 =	simm.s32 @!p2 $0x0  }
0x1d: {  	s5 =	simm.s32 @p1 $0x1;
	p0 =	seq.s32 s7, s2  }
0x1e: {  	s7 =	smul.u32 @!p0 $0xF7A, s2;
	p2 =	seq.s32 @!p0 s5, $0x0  }
0x1f: {  	s9 =	smul.u32 $0xF7A, s1;
	s8 =	simm.s32 @!p0 $0x1BF5;
	p2 =	por !p2, p0  }
0x20: {  	[sflag:s8] =	ssyncset.s32 @!p0 $0xFFFFF086;
	s6 =	sadd.s32 @!p0 s3, s7;
	s7 =	simm.s32 @!p0 $0x108  }
0x21: {  	s3 =	sadd.s32 s3, s9;
	s6 =	sadd.s32 @!p0 $0x88, s6;
	s7 =	simm.s32 @p2 $0x1082  }
0x22: {  	[simem:s7], [sflag:s8] =	dma.local @!p0 [hbm:s6], $0xF7A  }
0x23: {  	s9 =	sor.u32 $0xD0000000, s2;
	s6 =	simm.s32 $0x108;
	_ =	swait.ge @!p0 [sflag:s8], $0x0  }
0x24: {  	s3 =	sadd.s32 $0x88, s3;
	s6 =	simm.s32 @!p1 $0x1082;
	[sflag:s4] =	ssyncset.s32 $0xFFFFF086  }
0x25: {  	[simem:s6], [sflag:s4] =	dma.local [hbm:s3], $0xF7A  }
0x26: {  	[smem:$0x3F9E] =	sst s1;
	(tag) =	ssettag s2;
	_ =	strace s9  }
0x27: {  	s1 =	sld [smem:$0x3FAE]  }
0x28: {  	s2 =	sld [smem:$0x3FAF]  }
0x29: {  	s4 =	sld [smem:$0x3FB1]  }
0x2a: {  	p0 =	seq.s32 s5, $0x0;
	s5 =	sld [smem:$0x3FB2]  }
0x2b: {  	s6 =	sld [smem:$0x3FB3]  }
0x2c: {  	s7 =	sld [smem:$0x3FB4]  }
0x2d: {  	s3 =	simm.s32 $0x108;
	s8 =	sld [smem:$0x3FB5]  }
0x2e: {  	s3 =	simm.s32 @!p0 $0x1082;
	s9 =	sld [smem:$0x3FB6]  }
0x2f: {  	lr =	sadd.s32 s0, s3;
	s0 =	sld [smem:$0x3FAD]  }
0x30: {  	s3 =	sld [smem:$0x3FB0]  }
0x31: {  	[smem:$0x3FB9] =	sst s10  }
0x32: {  	s10 =	sld [smem:$0x3FB7];
	_ =	sdelay $0x3  }
0x33: {  	p0 =	seq.s32 s10, $0x1;
	s10 =	sld [smem:$0x3FB9];
	_ =	sdelay $0x3  }
0x34: {  	[smem:$0x3FB9] =	sst s10  }
0x35: {  	s10 =	sld [smem:$0x3FB8];
	_ =	sdelay $0x3  }
0x36: {  	p1 =	seq.s32 s10, $0x1;
	s10 =	sld [smem:$0x3FB9];
	_ =	sdelay $0x3  }
0x37: {  	[smem:$0x3FB9] =	sst s10  }
0x38: {  	s10 =	sld [smem:$0x3FBA]  }
0x39: {  	_ = 	snop;
	(pc) =	sbr.ind lr, $3  }
0x3a: {  	_ = 	snop  }
0x3b: {  	_ = 	snop  }
0x3c: {  	p2 =	seq.s32 s10, $0x1;
	s10 =	sld [smem:$0x3FB9]  }
0x3d: {  	_ =	shalt  }
0x3e: {  	_ =	shalt  }
0x3f: {  	_ =	shalt  }
0x40: {  	_ =	shalt  }
0x41: {  	_ =	shalt  }
0x42: {  	_ =	shalt  }
0x43: {  	_ =	shalt  }
0x44: {  	_ =	shalt  }
0x45: {  	_ =	shalt  }
0x46: {  	_ =	shalt  }
0x47: {  	_ =	shalt  }
0x48: {  	_ =	shalt  }
0x49: {  	_ =	shalt  }
0x4a: {  	_ =	shalt  }
0x4b: {  	_ =	shalt  }
0x4c: {  	_ =	shalt  }
0x4d: {  	_ =	shalt  }
0x4e: {  	_ =	shalt  }
0x4f: {  	_ =	shalt  }
0x50: {  	_ =	shalt  }
0x51: {  	_ =	shalt  }
0x52: {  	_ =	shalt  }
0x53: {  	_ =	shalt  }
0x54: {  	_ =	shalt  }
0x55: {  	_ =	shalt  }
0x56: {  	_ =	shalt  }
0x57: {  	_ =	shalt  }
0x58: {  	_ =	shalt  }
0x59: {  	_ =	shalt  }
0x5a: {  	_ =	shalt  }
0x5b: {  	_ =	shalt  }
0x5c: {  	_ =	shalt  }
0x5d: {  	_ =	shalt  }
0x5e: {  	_ =	shalt  }
0x5f: {  	_ =	shalt  }
0x60: {  	_ =	shalt  }
0x61: {  	_ =	shalt  }
0x62: {  	_ =	shalt  }
0x63: {  	_ =	shalt  }
0x64: {  	_ =	shalt  }
0x65: {  	_ =	shalt  }
0x66: {  	_ =	shalt  }
0x67: {  	_ =	shalt  }
0x68: {  	_ =	shalt  }
0x69: {  	_ =	shalt  }
0x6a: {  	_ =	shalt  }
0x6b: {  	_ =	shalt  }
0x6c: {  	_ =	shalt  }
0x6d: {  	_ =	shalt  }
0x6e: {  	_ =	shalt  }
0x6f: {  	_ =	shalt  }
0x70: {  	_ =	shalt  }
0x71: {  	_ =	shalt  }
0x72: {  	_ =	shalt  }
0x73: {  	_ =	shalt  }
0x74: {  	_ =	shalt  }
0x75: {  	_ =	shalt  }
0x76: {  	_ =	shalt  }
0x77: {  	_ =	shalt  }
0x78: {  	_ =	shalt  }
0x79: {  	_ =	shalt  }
0x7a: {  	_ =	shalt  }
0x7b: {  	_ =	shalt  }
0x7c: {  	_ =	shalt  }
0x7d: {  	_ =	shalt  }
0x7e: {  	_ =	shalt  }
0x7f: {  	_ =	shalt  }
0x80: {  	_ =	shalt  }
0x81: {  	_ =	shalt  }
0x82: {  	_ =	shalt  }
0x83: {  	_ =	shalt  }
0x84: {  	_ =	shalt  }
0x85: {  	_ =	shalt  }
0x86: {  	_ =	shalt  }
0x87: {  	_ =	shalt  }
.Lfunc_end0:
.L_simem_size_0:
called_computation.1_lowered:
.L_overlay_start_0:
0x88: {  	s2 =	sld [smem:$0x3FD9]  }
0x89: {  	s3 =	sld [smem:$0x3FFE];
	_ =	sdelay $0x1  }
0x8a: {  	s1 =	srdreg.scid  }
0x8b: {  	s0 =	sand.u32 $0x1, s1  }
0x8c: {  	s17 =	sshll.u32 s0, $0xA;
	s2 =	sadd.s32 s3, s2  }
0x8d: {  	s2 =	sadd.s32 s2, s17  }
0x8e: {  	[smem:$0x3FC5] =	sst s2  }
0x8f: {  	_ = 	snop  }
0x90: {  	s2 =	sld [smem:$0x3FC8]  }
0x91: {  	s18 =	sld [smem:$0x3FD0];
	(tm) =	ssettm $0x1  }
0x92: {  	s4 =	sld [smem:$0x3FFB];
	_ =	sdelay $0x3  }
0x93: {  	_ =	strace s4  }
0x94: {  	s4 =	sld [smem:$0x3FFC];
	_ =	sdelay $0x3  }
0x95: {  	_ =	strace s4  }
0x96: {  	s4 =	sld [smem:$0x3FFD];
	_ =	sdelay $0x3  }
0x97: {  	_ =	strace s4  }
0x98: {  	_ =	strace $0x8FFFFFFF  }
0x99: {  	s19 =	sld [smem:$0x3FDB];
	_ =	sdelay $0x1  }
0x9a: {  	s5 =	simm.s32 $_scs_section_size  }
0x9b: {  	s6 =	simm.s32 $_size__tile_overlayer_lowered;
	s7 =	simm.s32 $_tile_overlayer_lowered  }
0x9c: {  	s22 =	simm.s32 $0x1BFF;
	s21 =	sshll.u32 s7, $0x1;
	s4 =	sadd.s32 s5, s19  }
0x9d: {  	s8 =	simm.s32 $0x0;
	s20 =	sshll.u32 s6, $0x1;
	s6 =	sadd.s32 s21, s4  }
0x9e: {  	[timem:s8], [sflag:s22] =	dma.local [hbm:s6], s20  }
0x9f: {  	_ =	swait.ge [sflag:s22], s20  }
0xa0: {  	s5 =	ssub.s32 $0x0, s20;
	[sflag:s22] =	ssyncset.done $0x0  }
0xa1: {  	[sflag:s22] =	ssyncadd.s32 s5;
	_ =	sdelay $0x1  }
0xa2: {  	s23 =	simm.s32 $0x1B8B  }
0xa3: {  	_ =	swait.ge [sflag:s23], $0x1  }
0xa4: {  	[sflag:s23] =	ssyncset.done $0x0  }
0xa5: {  	s25 =	simm.s32 $0x1B8E;
	s24 =	sld [smem:$0x3FFE];
	[sflag:s23] =	ssyncadd.s32 $0xFFFFFFFF  }
0xa6: {  	s26 =	simm.s32 $execute0_lowered;
	[smem:$0x3FD2] =	sst s25  }
0xa7: {  	s6 =	sshll.u32 s26, $0x1;
	_ =	strace $0x80000046;
	[dreg:$0x1] =	wrdreg $0xFFFFFFFF  }
0xa8: {  	s28 =	simm.s32 $_size_execute0_lowered;
	s4 =	sadd.s32 s4, s6;
	[dreg:$0x0] =	wrdreg $0x0  }
0xa9: {  	s6 =	sshll.u32 s28, $0x1;
	[dreg:$0x2] =	wrdreg s4  }
0xaa: {  	[dreg:$0x3] =	wrdreg s6  }
0xab: {  	[dreg:$0x4] =	wrdreg $0xC0  }
0xac: {  	_ =	task [dreg:s8], $0x5FFFF  }
0xad: {  	[dreg:$0x1] =	wrdreg $0xFFFFFFFF  }
0xae: {  	[dreg:$0x0] =	wrdreg $0x60  }
0xaf: {  	[dreg:$0x2] =	wrdreg s24  }
0xb0: {  	[dreg:$0x3] =	wrdreg s2  }
0xb1: {  	[dreg:$0x4] =	wrdreg s18  }
0xb2: {  	[dreg:$0x5] =	wrdreg $0x9  }
0xb3: {  	_ =	task.clear_ibuf [dreg:s8], $0x6FFFF;
	_ =	strace $0x90000046  }
0xb4: {  	s29 =	simm.s32 $0x9;
	_ =	strace $0x80000048  }
0xb5: {  	_ =	swait.ge [sflag:s29], $0x1  }
0xb6: {  	[sflag:s29] =	ssyncadd.s32 $0xFFFFFFFF  }
0xb7: {  	_ =	strace $0x90000048  }
0xb8: {  	_ =	sfence  }
0xb9: {  	s30 =	sld [smem:$0x0];
	_ =	sdelay $0x2  }
0xba: {  	s31 =	sshll.u32 s1, $0xD;
	s1 =	sshrl.u32 s1, $0x2  }
0xbb: {  	s3 =	sand.u32 $0x4000, s31;
	s1 =	sadd.s32 s1, s30  }
0xbc: {  	s0 =	sor.u32 s3, s0;
	s1 =	sshll.u32 s1, $0x11  }
0xbd: {  	s0 =	sor.u32 s1, s0  }
0xbe: {  	s0 =	sadd.s32 $0x8F2B, s0  }
0xbf: {  	[sflag:s0] =	ssyncadd.remote.s32 $0x1  }
0xc0: {  	_ =	sfence.sel $0xFFFF  }
0xc1: {  	[dreg:$0x0] =	wrdreg $0xFFFFFFFF;
	(pc) =	sbr.abs _section_cstart, $3  }
0xc2: {  	[dreg:$0x1] =	wrdreg $0xFFFFFFFF  }
0xc3: {  	_ =	task.clear_ibuf [dreg:s8], $0x2FFFF;
	_ =	strace $0x9FFFFFFF  }
0xc4: {  	(tm) =	ssettm $0x7FFFFFFF  }
0xc5: {  	_ =	shalt  }
tec
execute0_lowered:
.L_overlay_start_1:
0x0: {  	(tag) =	ssettag $0x1  }
0x1: {  	s4 =	rddreg [dreg:$0x0]  }
0x2: {  	s5 =	rddreg [dreg:$0x1]  }
0x3: {  	s7 =	rddreg [dreg:$0x2]  }
0x4: {  	s0 =	rddreg [dreg:$0x3];
	s3 =	srdreg.scid  }
0x5: {  	s2 =	simm.s32 $0x0;
	s1 =	stileid.u32;
	s28 =	simm.s32 $0x7200  }
0x6: {  	s29 =	simm.s32 $0x7280;
	s30 =	simm.s32 $0x11400;
	s31 =	simm.s32 $0x7300  }
0x7: {  	s12 =	simm.s32 $0x13400;
	s14 =	simm.s32 $0x15400;
	s13 =	simm.s32 $0x7380  }
0x8: {  	s15 =	simm.s32 $0x7400;
	s16 =	simm.s32 $0x2;
	s17 =	simm.s32 $0x3  }
0x9: {  	s18 =	simm.s32 $0x4;
	s19 =	simm.s32 $0x0;
	[smem:$0x7FF] =	sst s2  }
0xa: {  	s8 =	sand.u32 $0x1, s3;
	_ =	strace $0x80000047;
	[dreg:$0x4] =	wrdreg s28  }
0xb: {  	s25 =	sshll.u32 s1, $0xB;
	s3 =	sadd.s32 $0x81B800, s4;
	[dreg:$0x6] =	wrdreg s29  }
0xc: {  	s26 =	sshll.u32 s1, $0xE;
	s6 =	sshll.u32 s8, $0xA;
	[dreg:$0x5] =	wrdreg s30  }
0xd: {  	s9 =	ssub.s32 $0x2, s8;
	s7 =	sadd.s32 s26, s7;
	[dreg:$0x8] =	wrdreg s31  }
0xe: {  	s8 =	sshll.u32 s8, $0xD;
	[dreg:$0x7] =	wrdreg s12;
	s12 =	simm.s32 $0xF400  }
0xf: {  	[dreg:$0x9] =	wrdreg s14;
	s14 =	simm.s32 $0x1;
	s6 =	sor.u32 s6, s25  }
0x10: {  	s10 =	sshrl.u32 s9, $0x1;
	s7 =	sadd.s32 s8, s7;
	s8 =	simm.s32 $0x5  }
0x11: {  	s6 =	sshrl.u32 s6, $0x3;
	s9 =	ssub.s32 s9, s10;
	s10 =	simm.s32 $0x400  }
0x12: {  	s11 =	sadd.s32 s6, s4;
	s4 =	sadd.s32 s5, s6;
	s6 =	smax.u32 s9, $0x1  }
0x13: {  	s9 =	simm.s32 $0x8000;
	s5 =	sadd.s32 $0x800, s11;
	s11 =	simm.s32 $0x80  }
.LBB2_1:
0x14: {  	[tilespmem:s2], [sflag:$0x5] =	stream.linear.gather [hbm4b:s4+s2], $0x400, $0x38;
	[tilespmem:$0x17400] =	vst v63  }
0x15: {  	_ =	swait.ge [sflag:s8], $0x400  }
0x16: {  	[sflag:s8] =	ssyncset.done $0x0  }
0x17: {  	[sflag:s8] =	ssyncadd.s32 $0xFFFFFC00  }
0x18: {  	[tilespmem:s10], [sflag:$0x5] =	stream.strided.gather [hbm4b:s5+s10], $0x6C00, s9, s10, $0x38;
	[tilespmem:$0x17400] =	vst v63  }
0x19: {  	_ =	swait.ge [sflag:s8], $0x6C00  }
0x1a: {  	[sflag:s8] =	ssyncset.done $0x0  }
0x1b: {  	s20 =	simm.s32 $0x600;
	s21 =	simm.s32 $0x0;
	[sflag:s8] =	ssyncadd.s32 $0xFFFF9400  }
.LBB2_2:
0x1c: {  	v0 =	vld [tilespmem:$0x0]  }
0x1d: {  	v1 =	vld [tilespmem:s20+$0xFFFFFE00];
	_ =	sdelay $0x3  }
0x1e: {  	v0 =	vshll.u32 v0, $0x10  }
0x1f: {  	v0 =	vadd.s32 v1, v0  }
0x20: {  	v58 =	vld [tilespmem:$0x10];
	[tilespmem:$0x7000] =	vst v0  }
0x21: {  	v59 =	vld [tilespmem:s20+$0xFFFFFE10];
	_ =	sdelay $0x3  }
0x22: {  	v0 =	vshll.u32 v58, $0x10  }
0x23: {  	v0 =	vadd.s32 v59, v0  }
0x24: {  	v60 =	vld [tilespmem:$0x20];
	[tilespmem:$0x7010] =	vst v0  }
0x25: {  	v61 =	vld [tilespmem:s20+$0xFFFFFE20];
	_ =	sdelay $0x3  }
0x26: {  	v0 =	vshll.u32 v60, $0x10  }
0x27: {  	v0 =	vadd.s32 v61, v0  }
0x28: {  	v62 =	vld [tilespmem:$0x30];
	[tilespmem:$0x7020] =	vst v0  }
0x29: {  	v63 =	vld [tilespmem:s20+$0xFFFFFE30];
	_ =	sdelay $0x3  }
0x2a: {  	v0 =	vshll.u32 v62, $0x10  }
0x2b: {  	v0 =	vadd.s32 v63, v0  }
0x2c: {  	v4 =	vld [tilespmem:$0x40];
	[tilespmem:$0x7030] =	vst v0  }
0x2d: {  	v5 =	vld [tilespmem:s20+$0xFFFFFE40];
	_ =	sdelay $0x3  }
0x2e: {  	v0 =	vshll.u32 v4, $0x10  }
0x2f: {  	v0 =	vadd.s32 v5, v0  }
0x30: {  	v6 =	vld [tilespmem:$0x50];
	[tilespmem:$0x7040] =	vst v0  }
0x31: {  	v7 =	vld [tilespmem:s20+$0xFFFFFE50];
	_ =	sdelay $0x3  }
0x32: {  	v0 =	vshll.u32 v6, $0x10  }
0x33: {  	v0 =	vadd.s32 v7, v0  }
0x34: {  	v8 =	vld [tilespmem:$0x60];
	[tilespmem:$0x7050] =	vst v0  }
0x35: {  	v9 =	vld [tilespmem:s20+$0xFFFFFE60];
	_ =	sdelay $0x3  }
0x36: {  	v0 =	vshll.u32 v8, $0x10  }
0x37: {  	v0 =	vadd.s32 v9, v0  }
0x38: {  	v10 =	vld [tilespmem:$0x70];
	[tilespmem:$0x7060] =	vst v0  }
0x39: {  	v11 =	vld [tilespmem:s20+$0xFFFFFE70];
	_ =	sdelay $0x3  }
0x3a: {  	v0 =	vshll.u32 v10, $0x10  }
0x3b: {  	v0 =	vadd.s32 v11, v0  }
0x3c: {  	v12 =	vld [tilespmem:$0x80];
	[tilespmem:$0x7070] =	vst v0  }
0x3d: {  	v13 =	vld [tilespmem:s20+$0xFFFFFE80];
	_ =	sdelay $0x3  }
0x3e: {  	v0 =	vshll.u32 v12, $0x10  }
0x3f: {  	v0 =	vadd.s32 v13, v0  }
0x40: {  	v14 =	vld [tilespmem:$0x90];
	[tilespmem:$0x7080] =	vst v0  }
0x41: {  	v15 =	vld [tilespmem:s20+$0xFFFFFE90];
	_ =	sdelay $0x3  }
0x42: {  	v0 =	vshll.u32 v14, $0x10  }
0x43: {  	v0 =	vadd.s32 v15, v0  }
0x44: {  	v16 =	vld [tilespmem:$0xA0];
	[tilespmem:$0x7090] =	vst v0  }
0x45: {  	v17 =	vld [tilespmem:s20+$0xFFFFFEA0];
	_ =	sdelay $0x3  }
0x46: {  	v0 =	vshll.u32 v16, $0x10  }
0x47: {  	v0 =	vadd.s32 v17, v0  }
0x48: {  	v18 =	vld [tilespmem:$0xB0];
	[tilespmem:$0x70A0] =	vst v0  }
0x49: {  	v19 =	vld [tilespmem:s20+$0xFFFFFEB0];
	_ =	sdelay $0x3  }
0x4a: {  	v0 =	vshll.u32 v18, $0x10  }
0x4b: {  	v0 =	vadd.s32 v19, v0  }
0x4c: {  	v20 =	vld [tilespmem:$0xC0];
	[tilespmem:$0x70B0] =	vst v0  }
0x4d: {  	v21 =	vld [tilespmem:s20+$0xFFFFFEC0];
	_ =	sdelay $0x3  }
0x4e: {  	v0 =	vshll.u32 v20, $0x10  }
0x4f: {  	v0 =	vadd.s32 v21, v0  }
0x50: {  	v22 =	vld [tilespmem:$0xD0];
	[tilespmem:$0x70C0] =	vst v0  }
0x51: {  	v23 =	vld [tilespmem:s20+$0xFFFFFED0];
	_ =	sdelay $0x3  }
0x52: {  	v0 =	vshll.u32 v22, $0x10  }
0x53: {  	v0 =	vadd.s32 v23, v0  }
0x54: {  	v24 =	vld [tilespmem:$0xE0];
	[tilespmem:$0x70D0] =	vst v0  }
0x55: {  	v25 =	vld [tilespmem:s20+$0xFFFFFEE0];
	_ =	sdelay $0x3  }
0x56: {  	v0 =	vshll.u32 v24, $0x10  }
0x57: {  	v0 =	vadd.s32 v25, v0  }
0x58: {  	v26 =	vld [tilespmem:$0xF0];
	[tilespmem:$0x70E0] =	vst v0  }
0x59: {  	v27 =	vld [tilespmem:s20+$0xFFFFFEF0];
	_ =	sdelay $0x3  }
0x5a: {  	v0 =	vshll.u32 v26, $0x10  }
0x5b: {  	v0 =	vadd.s32 v27, v0  }
0x5c: {  	v28 =	vld [tilespmem:$0x100];
	[tilespmem:$0x70F0] =	vst v0  }
0x5d: {  	v29 =	vld [tilespmem:s20+$0xFFFFFF00];
	_ =	sdelay $0x3  }
0x5e: {  	v0 =	vshll.u32 v28, $0x10  }
0x5f: {  	v0 =	vadd.s32 v29, v0  }
0x60: {  	v30 =	vld [tilespmem:$0x110];
	[tilespmem:$0x7100] =	vst v0  }
0x61: {  	v31 =	vld [tilespmem:s20+$0xFFFFFF10];
	_ =	sdelay $0x3  }
0x62: {  	v0 =	vshll.u32 v30, $0x10  }
0x63: {  	v0 =	vadd.s32 v31, v0  }
0x64: {  	v32 =	vld [tilespmem:$0x120];
	[tilespmem:$0x7110] =	vst v0  }
0x65: {  	v33 =	vld [tilespmem:s20+$0xFFFFFF20];
	_ =	sdelay $0x3  }
0x66: {  	v0 =	vshll.u32 v32, $0x10  }
0x67: {  	v0 =	vadd.s32 v33, v0  }
0x68: {  	v34 =	vld [tilespmem:$0x130];
	[tilespmem:$0x7120] =	vst v0  }
0x69: {  	v35 =	vld [tilespmem:s20+$0xFFFFFF30];
	_ =	sdelay $0x3  }
0x6a: {  	v0 =	vshll.u32 v34, $0x10  }
0x6b: {  	v0 =	vadd.s32 v35, v0  }
0x6c: {  	v36 =	vld [tilespmem:$0x140];
	[tilespmem:$0x7130] =	vst v0  }
0x6d: {  	v37 =	vld [tilespmem:s20+$0xFFFFFF40];
	_ =	sdelay $0x3  }
0x6e: {  	v0 =	vshll.u32 v36, $0x10  }
0x6f: {  	v0 =	vadd.s32 v37, v0  }
0x70: {  	v38 =	vld [tilespmem:$0x150];
	[tilespmem:$0x7140] =	vst v0  }
0x71: {  	v39 =	vld [tilespmem:s20+$0xFFFFFF50];
	_ =	sdelay $0x3  }
0x72: {  	v0 =	vshll.u32 v38, $0x10  }
0x73: {  	v0 =	vadd.s32 v39, v0  }
0x74: {  	v40 =	vld [tilespmem:$0x160];
	[tilespmem:$0x7150] =	vst v0  }
0x75: {  	v41 =	vld [tilespmem:s20+$0xFFFFFF60];
	_ =	sdelay $0x3  }
0x76: {  	v0 =	vshll.u32 v40, $0x10  }
0x77: {  	v0 =	vadd.s32 v41, v0  }
0x78: {  	v42 =	vld [tilespmem:$0x170];
	[tilespmem:$0x7160] =	vst v0  }
0x79: {  	v43 =	vld [tilespmem:s20+$0xFFFFFF70];
	_ =	sdelay $0x3  }
0x7a: {  	v0 =	vshll.u32 v42, $0x10  }
0x7b: {  	v0 =	vadd.s32 v43, v0  }
0x7c: {  	v44 =	vld [tilespmem:$0x180];
	[tilespmem:$0x7170] =	vst v0  }
0x7d: {  	v45 =	vld [tilespmem:s20+$0xFFFFFF80];
	_ =	sdelay $0x3  }
0x7e: {  	v0 =	vshll.u32 v44, $0x10  }
0x7f: {  	v0 =	vadd.s32 v45, v0  }
0x80: {  	v46 =	vld [tilespmem:$0x190];
	[tilespmem:$0x7180] =	vst v0  }
0x81: {  	v47 =	vld [tilespmem:s20+$0xFFFFFF90];
	_ =	sdelay $0x3  }
0x82: {  	v0 =	vshll.u32 v46, $0x10  }
0x83: {  	v0 =	vadd.s32 v47, v0  }
0x84: {  	v48 =	vld [tilespmem:$0x1A0];
	[tilespmem:$0x7190] =	vst v0  }
0x85: {  	v49 =	vld [tilespmem:s20+$0xFFFFFFA0];
	_ =	sdelay $0x3  }
0x86: {  	v0 =	vshll.u32 v48, $0x10  }
0x87: {  	v0 =	vadd.s32 v49, v0  }
0x88: {  	v50 =	vld [tilespmem:$0x1B0];
	[tilespmem:$0x71A0] =	vst v0  }
0x89: {  	v51 =	vld [tilespmem:s20+$0xFFFFFFB0];
	_ =	sdelay $0x3  }
0x8a: {  	v0 =	vshll.u32 v50, $0x10  }
0x8b: {  	v0 =	vadd.s32 v51, v0  }
0x8c: {  	v52 =	vld [tilespmem:$0x1C0];
	[tilespmem:$0x71B0] =	vst v0  }
0x8d: {  	v53 =	vld [tilespmem:s20+$0xFFFFFFC0];
	_ =	sdelay $0x3  }
0x8e: {  	v0 =	vshll.u32 v52, $0x10  }
0x8f: {  	v0 =	vadd.s32 v53, v0  }
0x90: {  	v54 =	vld [tilespmem:$0x1D0];
	[tilespmem:$0x71C0] =	vst v0  }
0x91: {  	v55 =	vld [tilespmem:s20+$0xFFFFFFD0];
	_ =	sdelay $0x3  }
0x92: {  	v0 =	vshll.u32 v54, $0x10  }
0x93: {  	v0 =	vadd.s32 v55, v0  }
0x94: {  	v56 =	vld [tilespmem:$0x1E0];
	[tilespmem:$0x71D0] =	vst v0  }
0x95: {  	v57 =	vld [tilespmem:s20+$0xFFFFFFE0];
	_ =	sdelay $0x3  }
0x96: {  	v0 =	vshll.u32 v56, $0x10  }
0x97: {  	v0 =	vadd.s32 v57, v0  }
0x98: {  	v58 =	vld [tilespmem:$0x1F0];
	[tilespmem:$0x71E0] =	vst v0  }
0x99: {  	v59 =	vld [tilespmem:s20+$0xFFFFFFF0];
	_ =	sdelay $0x3  }
0x9a: {  	v0 =	vshll.u32 v58, $0x10  }
0x9b: {  	v0 =	vadd.s32 v59, v0  }
0x9c: {  	v60 =	vld [tilespmem:$0x200];
	[tilespmem:$0x71F0] =	vst v0  }
0x9d: {  	v61 =	vld [tilespmem:s20+$0x0];
	_ =	sdelay $0x3  }
0x9e: {  	v0 =	vshll.u32 v60, $0x10  }
0x9f: {  	v0 =	vadd.s32 v61, v0  }
0xa0: {  	v62 =	vld [tilespmem:$0x210];
	[tilespmem:$0x7200] =	vst v0  }
0xa1: {  	v63 =	vld [tilespmem:s20+$0x10];
	_ =	sdelay $0x3  }
0xa2: {  	v0 =	vshll.u32 v62, $0x10  }
0xa3: {  	v0 =	vadd.s32 v63, v0  }
0xa4: {  	v4 =	vld [tilespmem:$0x220];
	[tilespmem:$0x7210] =	vst v0  }
0xa5: {  	v5 =	vld [tilespmem:s20+$0x20];
	_ =	sdelay $0x3  }
0xa6: {  	v0 =	vshll.u32 v4, $0x10  }
0xa7: {  	v0 =	vadd.s32 v5, v0  }
0xa8: {  	v6 =	vld [tilespmem:$0x230];
	[tilespmem:$0x7220] =	vst v0  }
0xa9: {  	v7 =	vld [tilespmem:s20+$0x30];
	_ =	sdelay $0x3  }
0xaa: {  	v0 =	vshll.u32 v6, $0x10  }
0xab: {  	v0 =	vadd.s32 v7, v0  }
0xac: {  	v8 =	vld [tilespmem:$0x240];
	[tilespmem:$0x7230] =	vst v0  }
0xad: {  	v9 =	vld [tilespmem:s20+$0x40];
	_ =	sdelay $0x3  }
0xae: {  	v0 =	vshll.u32 v8, $0x10  }
0xaf: {  	v0 =	vadd.s32 v9, v0  }
0xb0: {  	v10 =	vld [tilespmem:$0x250];
	[tilespmem:$0x7240] =	vst v0  }
0xb1: {  	v11 =	vld [tilespmem:s20+$0x50];
	_ =	sdelay $0x3  }
0xb2: {  	v0 =	vshll.u32 v10, $0x10  }
0xb3: {  	v0 =	vadd.s32 v11, v0  }
0xb4: {  	v12 =	vld [tilespmem:$0x260];
	[tilespmem:$0x7250] =	vst v0  }
0xb5: {  	v13 =	vld [tilespmem:s20+$0x60];
	_ =	sdelay $0x3  }
0xb6: {  	v0 =	vshll.u32 v12, $0x10  }
0xb7: {  	v0 =	vadd.s32 v13, v0  }
0xb8: {  	v14 =	vld [tilespmem:$0x270];
	[tilespmem:$0x7260] =	vst v0  }
0xb9: {  	v15 =	vld [tilespmem:s20+$0x70];
	_ =	sdelay $0x3  }
0xba: {  	v0 =	vshll.u32 v14, $0x10  }
0xbb: {  	v0 =	vadd.s32 v15, v0  }
0xbc: {  	v16 =	vld [tilespmem:$0x280];
	[tilespmem:$0x7270] =	vst v0  }
0xbd: {  	v17 =	vld [tilespmem:s20+$0x80];
	_ =	sdelay $0x3  }
0xbe: {  	v0 =	vshll.u32 v16, $0x10  }
0xbf: {  	v0 =	vadd.s32 v17, v0  }
0xc0: {  	v18 =	vld [tilespmem:$0x290];
	[tilespmem:$0x7280] =	vst v0  }
0xc1: {  	v19 =	vld [tilespmem:s20+$0x90];
	_ =	sdelay $0x3  }
0xc2: {  	v0 =	vshll.u32 v18, $0x10  }
0xc3: {  	v0 =	vadd.s32 v19, v0  }
0xc4: {  	v20 =	vld [tilespmem:$0x2A0];
	[tilespmem:$0x7290] =	vst v0  }
0xc5: {  	v21 =	vld [tilespmem:s20+$0xA0];
	_ =	sdelay $0x3  }
0xc6: {  	v0 =	vshll.u32 v20, $0x10  }
0xc7: {  	v0 =	vadd.s32 v21, v0  }
0xc8: {  	v22 =	vld [tilespmem:$0x2B0];
	[tilespmem:$0x72A0] =	vst v0  }
0xc9: {  	v23 =	vld [tilespmem:s20+$0xB0];
	_ =	sdelay $0x3  }
0xca: {  	v0 =	vshll.u32 v22, $0x10  }
0xcb: {  	v0 =	vadd.s32 v23, v0  }
0xcc: {  	v24 =	vld [tilespmem:$0x2C0];
	[tilespmem:$0x72B0] =	vst v0  }
0xcd: {  	v25 =	vld [tilespmem:s20+$0xC0];
	_ =	sdelay $0x3  }
0xce: {  	v0 =	vshll.u32 v24, $0x10  }
0xcf: {  	v0 =	vadd.s32 v25, v0  }
0xd0: {  	v26 =	vld [tilespmem:$0x2D0];
	[tilespmem:$0x72C0] =	vst v0  }
0xd1: {  	v27 =	vld [tilespmem:s20+$0xD0];
	_ =	sdelay $0x3  }
0xd2: {  	v0 =	vshll.u32 v26, $0x10  }
0xd3: {  	v0 =	vadd.s32 v27, v0  }
0xd4: {  	v28 =	vld [tilespmem:$0x2E0];
	[tilespmem:$0x72D0] =	vst v0  }
0xd5: {  	v29 =	vld [tilespmem:s20+$0xE0];
	_ =	sdelay $0x3  }
0xd6: {  	v0 =	vshll.u32 v28, $0x10  }
0xd7: {  	v0 =	vadd.s32 v29, v0  }
0xd8: {  	v30 =	vld [tilespmem:$0x2F0];
	[tilespmem:$0x72E0] =	vst v0  }
0xd9: {  	v31 =	vld [tilespmem:s20+$0xF0];
	_ =	sdelay $0x3  }
0xda: {  	v0 =	vshll.u32 v30, $0x10  }
0xdb: {  	v0 =	vadd.s32 v31, v0  }
0xdc: {  	v32 =	vld [tilespmem:$0x300];
	[tilespmem:$0x72F0] =	vst v0  }
0xdd: {  	v33 =	vld [tilespmem:s20+$0x100];
	_ =	sdelay $0x3  }
0xde: {  	v0 =	vshll.u32 v32, $0x10  }
0xdf: {  	v0 =	vadd.s32 v33, v0  }
0xe0: {  	v34 =	vld [tilespmem:$0x310];
	[tilespmem:$0x7300] =	vst v0  }
0xe1: {  	v35 =	vld [tilespmem:s20+$0x110];
	_ =	sdelay $0x3  }
0xe2: {  	v0 =	vshll.u32 v34, $0x10  }
0xe3: {  	v0 =	vadd.s32 v35, v0  }
0xe4: {  	v36 =	vld [tilespmem:$0x320];
	[tilespmem:$0x7310] =	vst v0  }
0xe5: {  	v37 =	vld [tilespmem:s20+$0x120];
	_ =	sdelay $0x3  }
0xe6: {  	v0 =	vshll.u32 v36, $0x10  }
0xe7: {  	v0 =	vadd.s32 v37, v0  }
0xe8: {  	v38 =	vld [tilespmem:$0x330];
	[tilespmem:$0x7320] =	vst v0  }
0xe9: {  	v39 =	vld [tilespmem:s20+$0x130];
	_ =	sdelay $0x3  }
0xea: {  	v0 =	vshll.u32 v38, $0x10  }
0xeb: {  	v0 =	vadd.s32 v39, v0  }
0xec: {  	v40 =	vld [tilespmem:$0x340];
	[tilespmem:$0x7330] =	vst v0  }
0xed: {  	v41 =	vld [tilespmem:s20+$0x140];
	_ =	sdelay $0x3  }
0xee: {  	v0 =	vshll.u32 v40, $0x10  }
0xef: {  	v0 =	vadd.s32 v41, v0  }
0xf0: {  	v42 =	vld [tilespmem:$0x350];
	[tilespmem:$0x7340] =	vst v0  }
0xf1: {  	v43 =	vld [tilespmem:s20+$0x150];
	_ =	sdelay $0x3  }
0xf2: {  	v0 =	vshll.u32 v42, $0x10  }
0xf3: {  	v0 =	vadd.s32 v43, v0  }
0xf4: {  	v44 =	vld [tilespmem:$0x360];
	[tilespmem:$0x7350] =	vst v0  }
0xf5: {  	v45 =	vld [tilespmem:s20+$0x160];
	_ =	sdelay $0x3  }
0xf6: {  	v0 =	vshll.u32 v44, $0x10  }
0xf7: {  	v0 =	vadd.s32 v45, v0  }
0xf8: {  	v46 =	vld [tilespmem:$0x370];
	[tilespmem:$0x7360] =	vst v0  }
0xf9: {  	v47 =	vld [tilespmem:s20+$0x170];
	_ =	sdelay $0x3  }
0xfa: {  	v0 =	vshll.u32 v46, $0x10  }
0xfb: {  	v0 =	vadd.s32 v47, v0  }
0xfc: {  	v48 =	vld [tilespmem:$0x380];
	[tilespmem:$0x7370] =	vst v0  }
0xfd: {  	v49 =	vld [tilespmem:s20+$0x180];
	_ =	sdelay $0x3  }
0xfe: {  	v0 =	vshll.u32 v48, $0x10  }
0xff: {  	v0 =	vadd.s32 v49, v0  }
0x100: {  	v50 =	vld [tilespmem:$0x390];
	[tilespmem:$0x7380] =	vst v0  }
0x101: {  	v51 =	vld [tilespmem:s20+$0x190];
	_ =	sdelay $0x3  }
0x102: {  	v0 =	vshll.u32 v50, $0x10  }
0x103: {  	v0 =	vadd.s32 v51, v0  }
0x104: {  	v52 =	vld [tilespmem:$0x3A0];
	[tilespmem:$0x7390] =	vst v0  }
0x105: {  	v53 =	vld [tilespmem:s20+$0x1A0];
	_ =	sdelay $0x3  }
0x106: {  	v0 =	vshll.u32 v52, $0x10  }
0x107: {  	v0 =	vadd.s32 v53, v0  }
0x108: {  	v54 =	vld [tilespmem:$0x3B0];
	[tilespmem:$0x73A0] =	vst v0  }
0x109: {  	v55 =	vld [tilespmem:s20+$0x1B0];
	_ =	sdelay $0x3  }
0x10a: {  	v0 =	vshll.u32 v54, $0x10  }
0x10b: {  	v0 =	vadd.s32 v55, v0  }
0x10c: {  	v56 =	vld [tilespmem:$0x3C0];
	[tilespmem:$0x73B0] =	vst v0  }
0x10d: {  	v57 =	vld [tilespmem:s20+$0x1C0];
	_ =	sdelay $0x3  }
0x10e: {  	v0 =	vshll.u32 v56, $0x10  }
0x10f: {  	v0 =	vadd.s32 v57, v0  }
0x110: {  	v58 =	vld [tilespmem:$0x3D0];
	[tilespmem:$0x73C0] =	vst v0  }
0x111: {  	v59 =	vld [tilespmem:s20+$0x1D0];
	_ =	sdelay $0x3  }
0x112: {  	v0 =	vshll.u32 v58, $0x10  }
0x113: {  	v0 =	vadd.s32 v59, v0  }
0x114: {  	v60 =	vld [tilespmem:$0x3E0];
	[tilespmem:$0x73D0] =	vst v0  }
0x115: {  	v61 =	vld [tilespmem:s20+$0x1E0];
	_ =	sdelay $0x3  }
0x116: {  	v0 =	vshll.u32 v60, $0x10  }
0x117: {  	v0 =	vadd.s32 v61, v0  }
0x118: {  	v62 =	vld [tilespmem:$0x3F0];
	[tilespmem:$0x73E0] =	vst v0  }
0x119: {  	v63 =	vld [tilespmem:s20+$0x1F0];
	_ =	sdelay $0x3  }
0x11a: {  	v0 =	vshll.u32 v62, $0x10  }
0x11b: {  	p0 =	seq.s32 s21, $0x0;
	v0 =	vadd.s32 v63, v0  }
0x11c: {  	s22 =	simm.s32 @p0 $0x80;
	s23 =	simm.s32 @p0 $0x7000;
	s24 =	simm.s32 @p0 $0x7400;
	[tilespmem:$0x73F0] =	vst v0  }
0x11d: {  	[tilespmem:s24], [sflag:$0x1] =	stream.indirect.gather @p0 [hbm4b:s3+s22], $0x40, s23, s22, $0xb8;
	[tilespmem:$0x17400] =	vst v63  }
0x11e: {  	s23 =	simm.s32 @p0 $0x7080;
	s24 =	simm.s32 @p0 $0x9400  }
0x11f: {  	[tilespmem:s24], [sflag:$0x1] =	stream.indirect.gather @p0 [hbm4b:s3+s22], $0x40, s23, s22, $0xb8;
	[tilespmem:$0x17400] =	vst v63  }
0x120: {  	s23 =	simm.s32 @p0 $0x7100;
	s24 =	simm.s32 @p0 $0xB400  }
0x121: {  	[tilespmem:s24], [sflag:$0x1] =	stream.indirect.gather @p0 [hbm4b:s3+s22], $0x40, s23, s22, $0xb8;
	[tilespmem:$0x17400] =	vst v63  }
0x122: {  	s23 =	simm.s32 @p0 $0x7180;
	s24 =	simm.s32 @p0 $0xD400  }
0x123: {  	[tilespmem:s24], [sflag:$0x1] =	stream.indirect.gather @p0 [hbm4b:s3+s22], $0x40, s23, s22, $0xb8;
	[tilespmem:$0x17400] =	vst v63  }
0x124: {  	s22 =	simm.s32 @!p0 $0x3  }
0x125: {  	_ =	swait.ge @!p0 [sflag:s22], $0x8000  }
0x126: {  	s23 =	simm.s32 @!p0 $0x7000;
	[sflag:s22] =	ssyncset.done @!p0 $0x0  }
0x127: {  	s24 =	simm.s32 @!p0 $0x7400;
	[sflag:s22] =	ssyncadd.s32 @!p0 $0xFFFF8000;
	s22 =	simm.s32 @!p0 $0x80  }
0x128: {  	[tilespmem:s24], [sflag:$0x1] =	stream.indirect.gather @!p0 [hbm4b:s3+s22], $0x40, s23, s22, $0xb8;
	[tilespmem:$0x17400] =	vst v63  }
0x129: {  	s23 =	simm.s32 @!p0 $0x7080;
	s24 =	simm.s32 @!p0 $0x9400  }
0x12a: {  	[tilespmem:s24], [sflag:$0x1] =	stream.indirect.gather @!p0 [hbm4b:s3+s22], $0x40, s23, s22, $0xb8;
	[tilespmem:$0x17400] =	vst v63  }
0x12b: {  	s23 =	simm.s32 @!p0 $0x7100;
	s24 =	simm.s32 @!p0 $0xB400  }
0x12c: {  	[tilespmem:s24], [sflag:$0x1] =	stream.indirect.gather @!p0 [hbm4b:s3+s22], $0x40, s23, s22, $0xb8;
	[tilespmem:$0x17400] =	vst v63  }
0x12d: {  	s23 =	simm.s32 @!p0 $0x7180;
	s24 =	simm.s32 @!p0 $0xD400  }
0x12e: {  	[tilespmem:s24], [sflag:$0x1] =	stream.indirect.gather @!p0 [hbm4b:s3+s22], $0x40, s23, s22, $0xb8;
	[tilespmem:$0x17400] =	vst v63  }
0x12f: {  	s22 =	simm.s32 @!p0 $0x4  }
0x130: {  	_ =	swait.ge @!p0 [sflag:s22], $0x8000  }
0x131: {  	s25 =	rddreg [dreg:$0x4]  }
0x132: {  	[sflag:s22] =	ssyncset.done @!p0 $0x0;
	s26 =	rddreg [dreg:$0x5]  }
0x133: {  	s28 =	rddreg [dreg:$0x6];
	[sflag:s22] =	ssyncadd.s32 @!p0 $0xFFFF8000  }
0x134: {  	[tilespmem:s12], [sflag:$0x2] =	stream.indirect.gather [hbm4b:s3+s11], $0x40, s25, s11, $0xb8;
	[tilespmem:$0x17400] =	vst v63  }
0x135: {  	s29 =	rddreg [dreg:$0x7]  }
0x136: {  	[tilespmem:s26], [sflag:$0x2] =	stream.indirect.gather [hbm4b:s3+s11], $0x40, s28, s11, $0xb8;
	[tilespmem:$0x17400] =	vst v63  }
0x137: {  	s25 =	rddreg [dreg:$0x8]  }
0x138: {  	[tilespmem:s29], [sflag:$0x2] =	stream.indirect.gather [hbm4b:s3+s11], $0x40, s25, s11, $0xb8;
	[tilespmem:$0x17400] =	vst v63  }
0x139: {  	s30 =	rddreg [dreg:$0x9]  }
0x13a: {  	[tilespmem:s30], [sflag:$0x2] =	stream.indirect.gather [hbm4b:s3+s11], $0x40, s13, s11, $0xb8;
	[tilespmem:$0x17400] =	vst v63  }
0x13b: {  	_ =	swait.ge [sflag:s14], $0x2000  }
0x13c: {  	[sflag:s14] =	ssyncset.done $0x0  }
0x13d: {  	[sflag:s14] =	ssyncadd.s32 $0xFFFFE000  }
0x13e: {  	_ =	swait.ge [sflag:s14], $0x2000  }
0x13f: {  	[sflag:s14] =	ssyncset.done $0x0  }
0x140: {  	[sflag:s14] =	ssyncadd.s32 $0xFFFFE000  }
0x141: {  	_ =	swait.ge [sflag:s14], $0x2000  }
0x142: {  	[sflag:s14] =	ssyncset.done $0x0  }
0x143: {  	[sflag:s14] =	ssyncadd.s32 $0xFFFFE000  }
0x144: {  	_ =	swait.ge [sflag:s14], $0x2000  }
0x145: {  	[sflag:s14] =	ssyncset.done $0x0  }
0x146: {  	s31 =	sadd.s32 s21, s7;
	[sflag:s14] =	ssyncadd.s32 $0xFFFFE000  }
0x147: {  	[hbm4b:s31+s2] =	stream.linear.scatter [tilespmem:s15], [sflag:$0x3], $0x8000, $0x38;
	[tilespmem:$0x17400] =	vst v63  }
0x148: {  	_ =	swait.ge [sflag:s16], $0x2000  }
0x149: {  	[sflag:s16] =	ssyncset.done $0x0  }
0x14a: {  	[sflag:s16] =	ssyncadd.s32 $0xFFFFE000  }
0x14b: {  	_ =	swait.ge [sflag:s16], $0x2000  }
0x14c: {  	[sflag:s16] =	ssyncset.done $0x0  }
0x14d: {  	[sflag:s16] =	ssyncadd.s32 $0xFFFFE000  }
0x14e: {  	s21 =	sadd.s32 $0x40000, s21;
	_ =	swait.ge [sflag:s16], $0x2000  }
0x14f: {  	p0 =	sne.s32 s21, $0x6C0000;
	[sflag:s16] =	ssyncset.done $0x0  }
.Ltmp0:
0x150: {  	[sflag:s16] =	ssyncadd.s32 $0xFFFFE000;
	(pc) =	sbr.rel @p0 .LBB2_2-.Ltmp0, $4  }
0x151: {  	_ =	swait.ge [sflag:s16], $0x2000  }
0x152: {  	[sflag:s16] =	ssyncset.done $0x0  }
0x153: {  	s20 =	sadd.s32 $0x400, s20;
	s22 =	sadd.s32 $0x1000, s31;
	[sflag:s16] =	ssyncadd.s32 $0xFFFFE000  }
0x154: {  	[hbm4b:s22+s2] =	stream.linear.scatter [tilespmem:s12], [sflag:$0x4], $0x8000, $0x38;
	[tilespmem:$0x17400] =	vst v63  }
0x155: {  	s19 =	sadd.s32 $0x1, s19  }
0x156: {  	_ =	swait.ge [sflag:s17], $0x8000;
	p0 =	sne.s32 s19, s6  }
.Ltmp1:
0x157: {  	[sflag:s17] =	ssyncset.done $0x0;
	(pc) =	sbr.rel @p0 .LBB2_1-.Ltmp1, $4  }
0x158: {  	[sflag:s17] =	ssyncadd.s32 $0xFFFF8000  }
0x159: {  	_ =	swait.ge [sflag:s18], $0x8000  }
0x15a: {  	[sflag:s18] =	ssyncset.done $0x0  }
0x15b: {  	[sflag:s18] =	ssyncadd.s32 $0xFFFF8000  }
0x15c: {  	_ =	sfence.sel $0x180000  }
0x15d: {  	[bflag:$0x0] =	sbarrier.arrive $0xFFFF  }
0x15e: {  	p0 =	sne.s32 s1, $0x0;
	_ =	strace $0x90000047  }
0x15f: {  	s0 =	sadd.s32 @!p0 $0x100000, s0;
	[bflag:$0x2] =	sbarrier.arrive $0xFFFF  }
0x160: {  	[sflag:s0] =	ssyncadd.tile.s32 @!p0 $0x1;
	_ =	shalt  }
.Lfunc_end2:
_tile_overlayer_lowered:
.L_overlay_start_2:
0x161: {  	(tag) =	ssettag $0x2  }
0x162: {  	s0 =	rddreg [dreg:$0x0];
	s2 =	stileid.u32  }
0x163: {  	s1 =	rddreg [dreg:$0x1];
	p0 =	sne.s32 s2, $0x0  }
0x164: {  	s3 =	rddreg [dreg:$0x2];
	[bflag:$0x3] =	sbarrier.arrive $0xFFFF;
	s2 =	simm.s32 @!p0 $0x1C05  }
0x165: {  	[timem:s3], [sflag:s2] =	dma.local @!p0 [hbm:s0], s1  }
0x166: {  	s0 =	simm.s32 @!p0 $0x5  }
0x167: {  	_ =	swait.ge @!p0 [sflag:s0], s1  }
0x168: {  	s1 =	ssub.s32 @!p0 $0x0, s1;
	[sflag:s0] =	ssyncset.done @!p0 $0x0  }
0x169: {  	[sflag:s0] =	ssyncadd.s32 @!p0 s1  }
0x16a: {  	[bflag:$0x3] =	sbarrier.arrive $0xFFFF  }
0x16b: {  	_ =	shalt  }

// kernel: sparse-core-data-format-call.cloned.1.call-start
scs
called_computation_lowered:
.L_overlay_start_0:
0x0: {  	s2 =	sld [smem:$0x3FD9]  }
0x1: {  	s3 =	sld [smem:$0x3FFE];
	_ =	sdelay $0x1  }
0x2: {  	s1 =	srdreg.scid  }
0x3: {  	s0 =	sand.u32 $0x1, s1  }
0x4: {  	s18 =	sshll.u32 s0, $0xA;
	s2 =	sadd.s32 s3, s2  }
0x5: {  	s2 =	sadd.s32 s2, s18  }
0x6: {  	[smem:$0x3FC5] =	sst s2  }
0x7: {  	_ = 	snop  }
0x8: {  	s2 =	sld [smem:$0x3FD0];
	(tm) =	ssettm $0x1  }
0x9: {  	s19 =	sld [smem:$0x3FFB];
	_ =	sdelay $0x3  }
0xa: {  	_ =	strace s19  }
0xb: {  	s3 =	sld [smem:$0x3FFC];
	_ =	sdelay $0x3  }
0xc: {  	_ =	strace s3  }
0xd: {  	s3 =	sld [smem:$0x3FFD];
	_ =	sdelay $0x3  }
0xe: {  	_ =	strace s3  }
0xf: {  	_ =	strace $0x8FFFFFFF  }
0x10: {  	s20 =	sld [smem:$0x3FDB];
	_ =	sdelay $0x1  }
0x11: {  	s4 =	simm.s32 $_scs_section_size  }
0x12: {  	s5 =	simm.s32 $_size__tile_overlayer_lowered;
	s6 =	simm.s32 $_tile_overlayer_lowered  }
0x13: {  	s23 =	simm.s32 $0x1BFF;
	s22 =	sshll.u32 s6, $0x1;
	s3 =	sadd.s32 s4, s20  }
0x14: {  	s7 =	simm.s32 $0x0;
	s21 =	sshll.u32 s5, $0x1;
	s5 =	sadd.s32 s22, s3  }
0x15: {  	[timem:s7], [sflag:s23] =	dma.local [hbm:s5], s21  }
0x16: {  	_ =	swait.ge [sflag:s23], s21  }
0x17: {  	s4 =	ssub.s32 $0x0, s21;
	[sflag:s23] =	ssyncset.done $0x0  }
0x18: {  	[sflag:s23] =	ssyncadd.s32 s4;
	_ =	sdelay $0x1  }
0x19: {  	s24 =	simm.s32 $0x1B8B  }
0x1a: {  	_ =	swait.ge [sflag:s24], $0x1  }
0x1b: {  	[sflag:s24] =	ssyncset.done $0x0  }
0x1c: {  	s26 =	simm.s32 $0x1B8E;
	s25 =	sld [smem:$0x3FFE];
	[sflag:s24] =	ssyncadd.s32 $0xFFFFFFFF  }
0x1d: {  	s27 =	simm.s32 $execute0_lowered;
	[smem:$0x3FD2] =	sst s26  }
0x1e: {  	s5 =	sshll.u32 s27, $0x1;
	_ =	strace $0x80000049;
	[dreg:$0x1] =	wrdreg $0xFFFFFFFF  }
0x1f: {  	s28 =	simm.s32 $_size_execute0_lowered;
	s3 =	sadd.s32 s3, s5;
	[dreg:$0x0] =	wrdreg $0x0  }
0x20: {  	s5 =	sshll.u32 s28, $0x1;
	[dreg:$0x2] =	wrdreg s3  }
0x21: {  	[dreg:$0x3] =	wrdreg s5  }
0x22: {  	[dreg:$0x4] =	wrdreg $0xC0  }
0x23: {  	_ =	task [dreg:s7], $0x5FFFF  }
0x24: {  	[dreg:$0x1] =	wrdreg $0xFFFFFFFF  }
0x25: {  	[dreg:$0x0] =	wrdreg $0x60  }
0x26: {  	[dreg:$0x2] =	wrdreg s25  }
0x27: {  	[dreg:$0x3] =	wrdreg s2  }
0x28: {  	[dreg:$0x4] =	wrdreg $0x9  }
0x29: {  	_ =	task.clear_ibuf [dreg:s7], $0x5FFFF;
	_ =	strace $0x90000049  }
0x2a: {  	s29 =	simm.s32 $0x9;
	_ =	strace $0x8000004B  }
0x2b: {  	_ =	swait.ge [sflag:s29], $0x1  }
0x2c: {  	[sflag:s29] =	ssyncadd.s32 $0xFFFFFFFF  }
0x2d: {  	_ =	strace $0x9000004B  }
0x2e: {  	_ =	sfence  }
0x2f: {  	s30 =	sld [smem:$0x0];
	_ =	sdelay $0x2  }
0x30: {  	s31 =	sshll.u32 s1, $0xD;
	s1 =	sshrl.u32 s1, $0x2  }
0x31: {  	s3 =	sand.u32 $0x4000, s31;
	s1 =	sadd.s32 s1, s30  }
0x32: {  	s0 =	sor.u32 s3, s0;
	s1 =	sshll.u32 s1, $0x11  }
0x33: {  	s0 =	sor.u32 s1, s0  }
0x34: {  	s0 =	sadd.s32 $0x8F2B, s0  }
0x35: {  	[sflag:s0] =	ssyncadd.remote.s32 $0x1  }
0x36: {  	_ =	sfence.sel $0xFFFF  }
0x37: {  	[dreg:$0x0] =	wrdreg $0xFFFFFFFF;
	(pc) =	sbr.abs _section_cstart, $3  }
0x38: {  	[dreg:$0x1] =	wrdreg $0xFFFFFFFF  }
0x39: {  	_ =	task.clear_ibuf [dreg:s7], $0x2FFFF;
	_ =	strace $0x9FFFFFFF  }
0x3a: {  	(tm) =	ssettm $0x7FFFFFFF  }
0x3b: {  	_ =	shalt  }
tec
execute0_lowered:
.L_overlay_start_1:
0x0: {  	(tag) =	ssettag $0x1  }
0x1: {  	s0 =	srdreg.scid  }
0x2: {  	s1 =	sshll.u32 s0, $0x4  }
0x3: {  	s0 =	stileid.u32;
	s1 =	sand.u32 $0x10, s1  }
0x4: {  	s1 =	sor.u32 s0, s1  }
0x5: {  	s6 =	rddreg [dreg:$0x0];
	s4 =	simm.s32 $0x1;
	s2 =	sshll.u32 s1, $0x7  }
0x6: {  	s7 =	simm.s32 $0x2;
	s12 =	simm.s32 $0x0;
	s1 =	ssub.s32 $0x8000, s2  }
0x7: {  	s8 =	simm.s32 $0x40000;
	s13 =	simm.s32 $0x0;
	s3 =	sand.u32 $0xF80, s1  }
0x8: {  	s10 =	simm.s32 $0x0;
	s5 =	sshrl.u32 s1, $0xC;
	p0 =	sne.s32 s3, $0x0  }
.Ltmp0:
0x9: {  	s1 =	rddreg [dreg:$0x2];
	s4 =	simm.s32 @!p0 $0x0;
	(pc) =	sbr.rel .LBB1_1-.Ltmp0, $4  }
0xa: {  	s11 =	simm.s32 $0x0;
	s3 =	rddreg [dreg:$0x1];
	s5 =	sadd.s32 s4, s5  }
0xb: {  	_ =	strace $0x8000004A;
	s4 =	simm.s32 $0x1;
	s5 =	smul.u32 $0x1B, s5  }
0xc: {  	s6 =	sadd.s32 $0x800, s6;
	s9 =	smov.u32 s2;
	[sflag:s4] =	ssyncpa.u1 $0x0  }
0xd: {  	p0 =	por $0x0, $0x0;
	[sflag:s7] =	ssyncpa.u1 $0x0;
	s7 =	sadd.s32 $0x1, s5  }
.LBB1_4:
0xe: {  	s16 =	sshll.u32 s12, $0x3;
	s17 =	sand.u32 $0x78, s12  }
0xf: {  	s13 =	sshll.u32 s13, $0x12;
	s30 =	sand.u32 $0x3F000, s12;
	s16 =	sand.u32 $0x7C00, s16  }
0x10: {  	[tilespmem:s15+$0x810 ss:$0x81] =	vst.msk $0xffff, v2;
	s31 =	sand.u32 $0x7, s12;
	s13 =	sadd.s32 s3, s13;
	s16 =	sor.u32 s17, s16  }
0x11: {  	[tilespmem:s15+$0x1020 ss:$0x81] =	vst.msk $0xffff, v0;
	s12 =	sshll.u32 s31, $0x12;
	s13 =	sadd.s32 s30, s13;
	s16 =	sshrl.u32 s16, $0x3  }
0x12: {  	[tilespmem:s15+$0x0 ss:$0x81] =	vst.msk $0xffff, v1;
	s12 =	sor.u32 $0x400, s12;
	s13 =	sadd.s32 s16, s13  }
0x13: {  	[hbm4b:s13+s12] =	stream.strided.scatter [tilespmem:s14], [sflag:$0x2], $0x2000, s8, s12, $0x20;
	[tilespmem:$0x8080] =	vst v63  }
.LBB1_5:
0x14: {  	s14 =	sadd.s32 $0x1000, s9  }
0x15: {  	s12 =	simm.s32 $0x1;
	p2 =	sgt.s32 s14, $0x7FFF  }
0x16: {  	s12 =	simm.s32 @!p2 $0x0  }
0x17: {  	s16 =	sadd.s32 s12, s10  }
0x18: {  	s14 =	smov.u32 @p2 s2;
	p2 =	sgt.s32 s16, $0x1A  }
0x19: {  	s16 =	simm.s32 @p2 $0x0;
	p2 =	sne.s32 s11, s7  }
.Ltmp1:
0x1a: {  	p1 =	slt.u32 s11, $0x2;
	(pc) =	sbr.rel @!p2 .LBB1_6-.Ltmp1, $4  }
0x1b: {  	s15 =	simm.s32 @!p1 $0x2  }
0x1c: {  	s13 =	smov.u32 s10;
	p0 =	por !p0, !p0;
	_ =	swait.ge @!p1 [sflag:s15], $0x2000  }
0x1d: {  	[sflag:s15] =	ssyncset.done @!p1 $0x0;
	s12 =	smov.u32 s9;
	s9 =	smov.u32 s14  }
0x1e: {  	[sflag:s15] =	ssyncadd.s32 @!p1 $0xFFFFE000;
	s11 =	sadd.s32 $0x1, s11;
	s10 =	smov.u32 s16  }
.LBB1_1:
0x1f: {  	p1 =	sge.u32 s11, s5  }
0x20: {  	s31 =	sadd.s32 $0xFFFFFFFF, s11;
	s14 =	sxor.u32 @!p1 $0xFFFFFFFF, s11  }
0x21: {  	s15 =	sshll.u32 @!p1 s10, $0x13;
	s16 =	sshll.u32 @!p1 s9, $0x4;
	s17 =	simm.s32 @!p1 $0x80  }
0x22: {  	s14 =	sshll.u32 @!p1 s14, $0xD;
	s16 =	sand.u32 @!p1 $0x7FFF0, s16;
	s15 =	sadd.s32 @!p1 s6, s15  }
0x23: {  	s14 =	sand.u32 @!p1 $0x2000, s14;
	s15 =	sadd.s32 @!p1 s16, s15;
	s16 =	simm.s32 @!p1 $0x40  }
0x24: {  	[tilespmem:s14], [sflag:$0x1] =	stream.strided.gather @!p1 [hbm4b:s15+s16], $0x2000, s17, s16, $0x38;
	[tilespmem:$0x8080] =	vst v63  }
0x25: {  	p1 =	sge.u32 s31, s5  }
.Ltmp2:
0x26: {  	_ = 	snop;
	(pc) =	sbr.rel @p1 .LBB1_5-.Ltmp2, $1  }
0x27: {  	_ =	sdelay $0x3  }
0x28: {  	s14 =	simm.s32 $0x1  }
0x29: {  	_ =	swait.ge [sflag:s4], $0x2000;
	s14 =	simm.s32 @!p0 $0x0  }
0x2a: {  	[sflag:s4] =	ssyncset.done $0x0;
	s15 =	sshll.u32 s14, $0xD  }
0x2b: {  	[sflag:s4] =	ssyncadd.s32 $0xFFFFE000;
	s18 =	sor.u32 $0x20, s15  }
0x2c: {  	s14 =	smul.u32 $0x8100, s14;
	v3 =	vld [tilespmem:s18+$0x10]  }
0x2d: {  	s30 =	sand.u32 $0x1, s11;
	v2 =	vld [tilespmem:s18+$0xFFFFFFF0]  }
0x2e: {  	s15 =	smul.u32 $0x8100, s30;
	s14 =	sshrl.u32 s14, $0x2;
	v0 =	vld [tilespmem:s18+$0x0]  }
0x2f: {  	v1 =	vld [tilespmem:s18+$0xFFFFFFE0];
	s16 =	sor.u32 $0x4000, s14  }
0x30: {  	s31 =	sshrl.u32 s15, $0x2;
	s15 =	sadd.s32 $0x0, s16  }
0x31: {  	s17 =	simm.s32 $0x4;
	s18 =	sadd.s32 $0x40, s18;
	s14 =	sor.u32 $0x4000, s31;
	[tilespmem:s15+$0x1830 ss:$0x81] =	vst.msk $0xffff, v3  }
.LBB1_3:
0x32: {  	v3 =	vld [tilespmem:s18+$0x10];
	p1 =	sne.s32 s17, $0x1FC;
	[tilespmem:s15+$0x810 ss:$0x81] =	vst.msk $0xffff, v2;
	s19 =	smov.u32 s17;
	s17 =	sadd.s32 $0x4, s17  }
.Ltmp3:
0x33: {  	v2 =	vld [tilespmem:s18+$0xFFFFFFF0];
	[tilespmem:s15+$0x1020 ss:$0x81] =	vst.msk $0xffff, v0;
	(pc) =	sbr.rel @p1 .LBB1_3-.Ltmp3, $4  }
0x34: {  	v0 =	vld [tilespmem:s18+$0x0];
	[tilespmem:s15+$0x0 ss:$0x81] =	vst.msk $0xffff, v1  }
0x35: {  	s15 =	sshra.s32 s19, $0x2;
	v1 =	vld [tilespmem:s18+$0xFFFFFFE0]  }
0x36: {  	s15 =	sadd.s32 s15, s16  }
0x37: {  	s18 =	sadd.s32 $0x40, s18;
	[tilespmem:s15+$0x1830 ss:$0x81] =	vst.msk $0xffff, v3  }
.Ltmp4:
0x38: {  	_ = 	snop;
	(pc) =	sbr.rel .LBB1_4-.Ltmp4, $1  }
0x39: {  	_ =	sdelay $0x3  }
.LBB1_6:
0x3a: {  	_ =	sfence.sel $0x180000  }
0x3b: {  	s2 =	simm.s32 $0x1;
	[bflag:$0x0] =	sbarrier.arrive $0xFFFF  }
0x3c: {  	s31 =	simm.s32 $0x2;
	[sflag:s2] =	ssyncpa.u1 $0x1  }
0x3d: {  	[sflag:s31] =	ssyncpa.u1 $0x1  }
0x3e: {  	p0 =	sne.s32 s0, $0x0;
	_ =	strace $0x9000004A  }
0x3f: {  	s0 =	sadd.s32 @!p0 $0x100000, s1;
	[bflag:$0x2] =	sbarrier.arrive $0xFFFF  }
0x40: {  	[sflag:s0] =	ssyncadd.tile.s32 @!p0 $0x1;
	_ =	shalt  }
.Lfunc_end1:
_tile_overlayer_lowered:
.L_overlay_start_2:
0x41: {  	(tag) =	ssettag $0x2  }
0x42: {  	s0 =	rddreg [dreg:$0x0];
	s2 =	stileid.u32  }
0x43: {  	s1 =	rddreg [dreg:$0x1];
	p0 =	sne.s32 s2, $0x0  }
0x44: {  	s3 =	rddreg [dreg:$0x2];
	[bflag:$0x3] =	sbarrier.arrive $0xFFFF;
	s2 =	simm.s32 @!p0 $0x1C01  }
0x45: {  	[timem:s3], [sflag:s2] =	dma.local @!p0 [hbm:s0], s1  }
0x46: {  	s0 =	simm.s32 @!p0 $0x1  }
0x47: {  	_ =	swait.ge @!p0 [sflag:s0], s1  }
0x48: {  	s1 =	ssub.s32 @!p0 $0x0, s1;
	[sflag:s0] =	ssyncset.done @!p0 $0x0  }
0x49: {  	[sflag:s0] =	ssyncadd.s32 @!p0 s1  }
0x4a: {  	[bflag:$0x3] =	sbarrier.arrive $0xFFFF  }
0x4b: {  	_ =	shalt  }

</sc_bundles>
